<compile_context>
chip_gen: v7x
topology: tpu7x:2x2x1
jax: 0.10.2.dev20260603
libtpu: 0.0.44.dev20260713+nightly
codegen_flags: <defaults>
</compile_context>

<pallas_src>
import functools

import jax
import jax.numpy as jnp
from jax import lax
from jax.experimental import pallas as pl
from jax.experimental.pallas import tpu as pltpu
from jax.experimental.pallas import tpu_sc as plsc

_N = 10000
_E = 320000
_D = 128
_H = 128
_G = 64
_AUGW = 160
_CHUNK = 128
_NCHUNKS = _E // _CHUNK
_NW = 32
_NPAD = 10240
_ROWS_PER_TILE = _NPAD // 16
_BLK = 1000
_NBLK = _N // _BLK


_NCH_W = 78


def _sc_edge_agg_body(yl_hbm, eidx_hbm, zeros_hbm, out_hbm,
                      i0, i1, i2, i3, b0, b1, b2, b3, agg_sh,
                      g0, g1, g2, g3, s0, s1, s2, s3):
    c = lax.axis_index("c")
    s = lax.axis_index("s")
    wid = s * 2 + c
    pltpu.sync_copy(zeros_hbm,
                    agg_sh.at[pl.ds(s * _ROWS_PER_TILE, _ROWS_PER_TILE)])
    plsc.subcore_barrier()

    idxs = [i0, i1, i2, i3]
    bufs = [b0, b1, b2, b3]
    gsem = [g0, g1, g2, g3]
    isem = [s0, s1, s2, s3]
    cbase = wid * _NCH_W

    def start_idx(j, k):
        pltpu.async_copy(eidx_hbm.at[j], idxs[k], isem[k])

    def wait_idx(k):
        pltpu.make_async_copy(eidx_hbm.at[0], idxs[k], isem[k]).wait()

    def start_gather(k):
        pltpu.async_copy(yl_hbm.at[idxs[k].at[0]], bufs[k], gsem[k])

    def wait_gather(k):
        pltpu.make_async_copy(yl_hbm.at[idxs[k].at[0]], bufs[k],
                              gsem[k]).wait()

    def scatter(k):
        pltpu.sync_copy(bufs[k], agg_sh.at[idxs[k].at[1]], add=True)

    for k in range(4):
        start_idx(cbase + k, k)
    for k in range(3):
        wait_idx(k)
        start_gather(k)

    def body(t, carry):
        j = cbase + 4 * t
        wait_idx(3)
        start_gather(3)
        for k in range(3):
            wait_gather(k)
            scatter(k)
            start_idx(j + 4 + k, k)
        wait_idx(0)
        start_gather(0)
        wait_idx(1)
        start_gather(1)
        wait_gather(3)
        scatter(3)
        start_idx(j + 7, 3)
        wait_idx(2)
        start_gather(2)
        return carry

    lax.fori_loop(0, (_NCH_W - 2) // 4, body, 0)
    wait_gather(0)
    scatter(0)
    wait_gather(1)
    scatter(1)
    wait_gather(2)
    wait_idx(3)

    @pl.when(wid < 4)
    def _():
        start_idx(_NW * _NCH_W + wid, 0)
        wait_idx(0)
        start_gather(0)
        wait_gather(0)
        scatter(0)

    plsc.subcore_barrier()
    pltpu.sync_copy(agg_sh.at[pl.ds(s * _ROWS_PER_TILE, _ROWS_PER_TILE)],
                    out_hbm.at[c, pl.ds(s * _ROWS_PER_TILE, _ROWS_PER_TILE)])


def _edge_agg(yl_aug, eidx3, zeros):
    call = pl.kernel(
        _sc_edge_agg_body,
        out_type=jax.ShapeDtypeStruct((2, _NPAD, _AUGW), jnp.bfloat16),
        mesh=plsc.VectorSubcoreMesh(core_axis_name="c", subcore_axis_name="s"),
        scratch_types=(
            [pltpu.VMEM((2, _CHUNK), jnp.int32)] * 4
            + [pltpu.VMEM((_CHUNK, _AUGW), jnp.bfloat16)] * 4
            + [pltpu.VMEM_SHARED((_NPAD, _AUGW), jnp.bfloat16)]
            + [pltpu.SemaphoreType.DMA] * 8
        ),
        compiler_params=pltpu.CompilerParams(use_tc_tiling_on_sc=False),
    )
    return call(yl_aug, eidx3, zeros)


def _k1_body(nb, eb, wla, wr, w1, w2, bcol, blr, b1r, b2r,
             yl_out, base_out, mlp_out):
    xb = jnp.concatenate([nb[...], eb[...]], axis=1)
    yl_out[...] = (jnp.dot(xb, wla[...], preferred_element_type=jnp.float32)
                   + bcol[...]).astype(jnp.bfloat16)
    base_out[...] = jnp.dot(xb, wr[...], preferred_element_type=jnp.float32) + blr[...]
    h1 = jnp.maximum(jnp.dot(xb, w1[...], preferred_element_type=jnp.float32) + b1r[...], 0.0)
    mlp_out[...] = jnp.maximum(jnp.dot(h1, w2[...], preferred_element_type=jnp.float32) + b2r[...], 0.0)


def _k1(nf, ef, wla, wr, w1, w2, bcol, blr, b1r, b2r):
    return pl.pallas_call(
        _k1_body,
        grid=(_NBLK,),
        in_specs=[
            pl.BlockSpec((_BLK, _D), lambda i: (i, 0)),
            pl.BlockSpec((_BLK, _D), lambda i: (i, 0)),
            pl.BlockSpec((2 * _D, _AUGW), lambda i: (0, 0)),
            pl.BlockSpec((2 * _D, _H), lambda i: (0, 0)),
            pl.BlockSpec((2 * _D, _H), lambda i: (0, 0)),
            pl.BlockSpec((_H, _H), lambda i: (0, 0)),
            pl.BlockSpec((1, _AUGW), lambda i: (0, 0)),
            pl.BlockSpec((1, _H), lambda i: (0, 0)),
            pl.BlockSpec((1, _H), lambda i: (0, 0)),
            pl.BlockSpec((1, _H), lambda i: (0, 0)),
        ],
        out_specs=[
            pl.BlockSpec((_BLK, _AUGW), lambda i: (i, 0)),
            pl.BlockSpec((_BLK, _H), lambda i: (i, 0)),
            pl.BlockSpec((_BLK, _H), lambda i: (i, 0)),
        ],
        out_shape=[
            jax.ShapeDtypeStruct((_N, _AUGW), jnp.bfloat16),
            jax.ShapeDtypeStruct((_N, _H), jnp.float32),
            jax.ShapeDtypeStruct((_N, _H), jnp.float32),
        ],
    )(nf, ef, wla, wr, w1, w2, bcol, blr, b1r, b2r)


def _k34_body(a0, a1, baseb, mlpb, batchb, gam, bet, wf, bfr,
              out, pre_s, sums_s, sumsq_s, gacc, cacc):
    i = pl.program_id(0)

    @pl.when(i == 0)
    def _():
        sums_s[...] = jnp.zeros_like(sums_s)
        sumsq_s[...] = jnp.zeros_like(sumsq_s)
        gacc[...] = jnp.zeros_like(gacc)
        cacc[...] = jnp.zeros_like(cacc)

    @pl.when(i < _NBLK)
    def _():
        aggb = a0[0].astype(jnp.float32) + a1[0].astype(jnp.float32)
        deg = jnp.maximum(aggb[:, _H:_H + 1], 1.0)
        pre = aggb[:, :_H] / deg + baseb[...]
        pre_s[pl.ds(i * _BLK, _BLK), :] = pre
        sums_s[...] += jnp.sum(pre, axis=0, keepdims=True)
        sumsq_s[...] += jnp.sum(pre * pre, axis=0, keepdims=True)

    @pl.when(i >= _NBLK)
    def _():
        k = i - _NBLK
        mu = sums_s[...] / _N
        var = sumsq_s[...] / _N - mu * mu
        rstd = lax.rsqrt(var + 1e-5)
        preb = pre_s[pl.ds(k * _BLK, _BLK), :]
        xg = (preb - mu) * rstd * gam[...] + bet[...]
        comb = jnp.maximum(xg, 0.0) + mlpb[...]
        b = batchb[0]
        gi = lax.broadcasted_iota(jnp.int32, (_G, 1), 0)
        oh = (gi == b).astype(jnp.float32)
        gacc[...] += jnp.dot(oh, comb, preferred_element_type=jnp.float32)
        cacc[...] += jnp.sum(oh, axis=1, keepdims=True)

    @pl.when(i == 2 * _NBLK - 1)
    def _():
        gf = gacc[...] / jnp.maximum(cacc[...], 1.0)
        z = jnp.dot(gf, wf[...], preferred_element_type=jnp.float32) + bfr[...]
        out[...] = jax.nn.sigmoid(z)


def _k34(agg2, base, mlp, batch3, gam, bet, wf, bfr):
    ilo = lambda i: jnp.minimum(i, _NBLK - 1)
    ihi = lambda i: jnp.maximum(i - _NBLK, 0)
    return pl.pallas_call(
        _k34_body,
        grid=(2 * _NBLK,),
        in_specs=[
            pl.BlockSpec((1, _BLK, _AUGW), lambda i: (0, ilo(i), 0)),
            pl.BlockSpec((1, _BLK, _AUGW), lambda i: (1, ilo(i), 0)),
            pl.BlockSpec((_BLK, _H), lambda i: (ilo(i), 0)),
            pl.BlockSpec((_BLK, _H), lambda i: (ihi(i), 0)),
            pl.BlockSpec((1, 1, _BLK), lambda i: (ihi(i), 0, 0)),
            pl.BlockSpec((1, _H), lambda i: (0, 0)),
            pl.BlockSpec((1, _H), lambda i: (0, 0)),
            pl.BlockSpec((_H, 1), lambda i: (0, 0)),
            pl.BlockSpec((1, 1), lambda i: (0, 0)),
        ],
        out_specs=pl.BlockSpec((_G, 1), lambda i: (0, 0)),
        out_shape=jax.ShapeDtypeStruct((_G, 1), jnp.float32),
        scratch_shapes=[
            pltpu.VMEM((_N, _H), jnp.float32),
            pltpu.VMEM((1, _H), jnp.float32),
            pltpu.VMEM((1, _H), jnp.float32),
            pltpu.VMEM((_G, _H), jnp.float32),
            pltpu.VMEM((_G, 1), jnp.float32),
        ],
    )(agg2, agg2, base, mlp, batch3, gam, bet, wf, bfr)


def kernel(normal_features, extreme_features, Wl, bl, Wr, gamma, beta,
           W1, b1, W2, b2, Wf, bf, edge_index, batch):
    f32 = jnp.float32
    wla = jnp.concatenate([Wl, jnp.zeros((2 * _D, _AUGW - _H), f32)], axis=1)
    bcol = jnp.zeros((1, _AUGW), f32).at[0, _H].set(1.0)
    blr = bl.reshape(1, _H)
    b1r = b1.reshape(1, _H)
    b2r = b2.reshape(1, _H)
    bfr = bf.reshape(1, 1)
    gam = gamma.reshape(1, _H)
    bet = beta.reshape(1, _H)

    yl_aug, base, mlp = _k1(normal_features, extreme_features,
                            wla, Wr, W1, W2, bcol, blr, b1r, b2r)

    zeros = jnp.zeros((_ROWS_PER_TILE, _AUGW), jnp.bfloat16)
    eidx3 = edge_index.reshape(2, _NCHUNKS, _CHUNK).transpose(1, 0, 2)
    agg2 = _edge_agg(yl_aug, eidx3, zeros)

    batch3 = batch.reshape(_NBLK, 1, _BLK)
    return _k34(agg2, base, mlp, batch3, gam, bet, Wf, bfr)

# --- scband reference (transcript-rebuilt; emitter-appended) ---
"""Pipeline reference for scband-discriminator-36945308680833 (READ-ONLY COPY).

The authoritative reference and input builder live on the scoring server;
editing this copy changes nothing except your own understanding.
"""

import jax, jax.numpy as jnp
import numpy as np

N = 10000
E = 320000
D = 128
H = 128
G = 64


def setup_inputs(seed: int = 0) -> dict:
    key = jax.random.key(seed)
    ks = jax.random.split(key, 16)
    normal_features = jax.random.normal(ks[0], (N, D), dtype=jnp.float32)
    extreme_features = jax.random.normal(ks[1], (N, D), dtype=jnp.float32)
    edge_index = jax.random.randint(ks[2], (2, E), 0, N, dtype=jnp.int32)
    batch = jnp.sort(jax.random.randint(ks[3], (N,), 0, G, dtype=jnp.int32))
    s = 0.05
    Wl = jax.random.normal(ks[4], (2 * D, H), dtype=jnp.float32) * s
    bl = jnp.zeros((H,), dtype=jnp.float32)
    Wr = jax.random.normal(ks[5], (2 * D, H), dtype=jnp.float32) * s
    gamma = jnp.ones((H,), dtype=jnp.float32)
    beta = jnp.zeros((H,), dtype=jnp.float32)
    W1 = jax.random.normal(ks[6], (2 * D, H), dtype=jnp.float32) * s
    b1 = jnp.zeros((H,), dtype=jnp.float32)
    W2 = jax.random.normal(ks[7], (H, H), dtype=jnp.float32) * s
    b2 = jnp.zeros((H,), dtype=jnp.float32)
    Wf = jax.random.normal(ks[8], (H, 1), dtype=jnp.float32) * s
    bf = jnp.zeros((1,), dtype=jnp.float32)
    return {
        "normal_features": normal_features,
        "extreme_features": extreme_features,
        "Wl": Wl, "bl": bl, "Wr": Wr,
        "gamma": gamma, "beta": beta,
        "W1": W1, "b1": b1, "W2": W2, "b2": b2,
        "Wf": Wf, "bf": bf,
        "edge_index": edge_index,
        "batch": batch,
    }


def reference(normal_features, extreme_features, Wl, bl, Wr, gamma, beta, W1, b1, W2, b2, Wf, bf, edge_index, batch):
    # x_cat = cat([normal, extreme], dim=1)
    x = jnp.concatenate([normal_features, extreme_features], axis=1)
    src = edge_index[0]
    dst = edge_index[1]
    # SAGEConv (mean aggregation): out = lin_l(mean_j x_j) + lin_r(x)
    msg = jnp.take(x, src, axis=0)
    agg = jax.ops.segment_sum(msg, dst, num_segments=N)
    deg = jax.ops.segment_sum(jnp.ones((dst.shape[0],), dtype=jnp.float32), dst, num_segments=N)
    mean_agg = agg / jnp.maximum(deg, 1.0)[:, None]
    x_gnn = mean_agg @ Wl + bl + x @ Wr
    # BatchNorm (training-mode batch statistics over nodes)
    mu = jnp.mean(x_gnn, axis=0)
    var = jnp.var(x_gnn, axis=0)
    x_gnn = (x_gnn - mu) / jnp.sqrt(var + 1e-5) * gamma + beta
    x_gnn = jax.nn.relu(x_gnn)
    # joint MLP branch
    x_mlp = jax.nn.relu(x @ W1 + b1)
    x_mlp = jax.nn.relu(x_mlp @ W2 + b2)
    x_combined = x_gnn + x_mlp
    # global_mean_pool
    gsum = jax.ops.segment_sum(x_combined, batch, num_segments=G)
    cnt = jax.ops.segment_sum(jnp.ones((x_combined.shape[0],), dtype=jnp.float32), batch, num_segments=G)
    graph_feature = gsum / jnp.maximum(cnt, 1.0)[:, None]
    out = jax.nn.sigmoid(graph_feature @ Wf + bf)
    return out

if __name__ == "__main__":
    import jax
    _d = setup_inputs()
    print(jax.jit(kernel)(*tuple(_d.values())))

</pallas_src>

<mosaic_0001>
#map = affine_map<(d0, d1) -> (0, 0)>
#map1 = affine_map<(d0, d1) -> (0, 0, 0)>
module attributes {stable_mosaic.version = 14 : i64} {
  func.func @_sc_edge_agg_body(%arg0: i32, %arg1: i32, %arg2: memref<10000x160xbf16, #tpu.memory_space<hbm>>, %arg3: memref<2500x2x128xi32, #tpu.memory_space<hbm>>, %arg4: memref<640x160xbf16, #tpu.memory_space<hbm>>, %arg5: memref<2x10240x160xbf16, #tpu.memory_space<hbm>>, %arg6: memref<2x128xi32, #tpu.memory_space<vmem>>, %arg7: memref<2x128xi32, #tpu.memory_space<vmem>>, %arg8: memref<2x128xi32, #tpu.memory_space<vmem>>, %arg9: memref<2x128xi32, #tpu.memory_space<vmem>>, %arg10: memref<128x160xbf16, #tpu.memory_space<vmem>>, %arg11: memref<128x160xbf16, #tpu.memory_space<vmem>>, %arg12: memref<128x160xbf16, #tpu.memory_space<vmem>>, %arg13: memref<128x160xbf16, #tpu.memory_space<vmem>>, %arg14: memref<10240x160xbf16, #tpu.memory_space<vmem_shared>>, %arg15: memref<!tpu.dma_semaphore, #tpu.memory_space<semaphore_mem>>, %arg16: memref<!tpu.dma_semaphore, #tpu.memory_space<semaphore_mem>>, %arg17: memref<!tpu.dma_semaphore, #tpu.memory_space<semaphore_mem>>, %arg18: memref<!tpu.dma_semaphore, #tpu.memory_space<semaphore_mem>>, %arg19: memref<!tpu.dma_semaphore, #tpu.memory_space<semaphore_mem>>, %arg20: memref<!tpu.dma_semaphore, #tpu.memory_space<semaphore_mem>>, %arg21: memref<!tpu.dma_semaphore, #tpu.memory_space<semaphore_mem>>, %arg22: memref<!tpu.dma_semaphore, #tpu.memory_space<semaphore_mem>>) attributes {dimension_semantics = [#tpu.dimension_semantics<core_parallel>, #tpu.dimension_semantics<subcore_parallel>], iteration_bounds = array<i64: 2, 16>, scalar_prefetch = 0 : i64, scratch_operands = 17 : i64, tpu.core_type = #tpu.core_type<sc_vector_subcore>, window_params = [{transform_indices = #map}, {transform_indices = #map1}, {transform_indices = #map}, {transform_indices = #map1}]} {
    %mul3A = arith.constant 2 : i32
    %mul3A_0 = arith.muli %arg1, %mul3A : i32
    %add3A = arith.addi %mul3A_0, %arg0 : i32
    %mul3A_1 = arith.constant 640 : i32
    %mul3A_2 = arith.muli %arg1, %mul3A_1 : i32
    "tpu.region"() ({
      %run_scoped3A_134 = tpu.sem_alloc : memref<!tpu.dma_semaphore, #tpu.memory_space<semaphore_mem>>
      %dma_start3A_135 = arith.constant 0 : i32
      %dma_start3A_136 = tpu.memref_slice %arg14[%mul3A_2, %dma_start3A_135] : memref<10240x160xbf16, #tpu.memory_space<vmem_shared>> -> memref<640x160xbf16, #tpu.memory_space<vmem_shared>>
      tpu.enqueue_dma source(%arg4 : memref<640x160xbf16, #tpu.memory_space<hbm>>) target(%dma_start3A_136 : memref<640x160xbf16, #tpu.memory_space<vmem_shared>>) target_semaphore(%run_scoped3A_134 : memref<!tpu.dma_semaphore, #tpu.memory_space<semaphore_mem>>)
      %dma_wait3A_137 = arith.constant 0 : i32
      %dma_wait3A_138 = tpu.memref_slice %arg14[%mul3A_2, %dma_wait3A_137] : memref<10240x160xbf16, #tpu.memory_space<vmem_shared>> -> memref<640x160xbf16, #tpu.memory_space<vmem_shared>>
      tpu.wait_dma2 semaphore(%run_scoped3A_134 : memref<!tpu.dma_semaphore, #tpu.memory_space<semaphore_mem>>) src(%arg4 : memref<640x160xbf16, #tpu.memory_space<hbm>>) dst(%dma_wait3A_138 : memref<640x160xbf16, #tpu.memory_space<vmem_shared>>)
      tpu.yield
    }) : () -> ()
    %barrier3A = arith.constant 0 : index
    tpu.barrier barrier_id(%barrier3A)
    %mul3A_3 = arith.constant 78 : i32
    %mul3A_4 = arith.muli %add3A, %mul3A_3 : i32
    %add3A_5 = arith.constant 0 : i32
    %add3A_6 = arith.addi %mul3A_4, %add3A_5 : i32
    %dma_start3A = arith.constant 0 : i32
    %dma_start3A_7 = arith.constant 0 : i32
    %dma_start3A_8 = tpu.memref_slice %arg3[%add3A_6, %dma_start3A, %dma_start3A_7] : memref<2500x2x128xi32, #tpu.memory_space<hbm>> -> memref<1x2x128xi32, #tpu.memory_space<hbm>>
    %dma_start3A_9 = tpu.memref_squeeze %dma_start3A_8 : memref<1x2x128xi32, #tpu.memory_space<hbm>> -> memref<2x128xi32, #tpu.memory_space<hbm>>
    %dma_start3A_10 = arith.constant 0 : i32
    %dma_start3A_11 = arith.constant 0 : i32
    %dma_start3A_12 = tpu.memref_slice %arg3[%add3A_6, %dma_start3A_10, %dma_start3A_11] : memref<2500x2x128xi32, #tpu.memory_space<hbm>> -> memref<1x2x128xi32, #tpu.memory_space<hbm>>
    %dma_start3A_13 = tpu.memref_squeeze %dma_start3A_12 : memref<1x2x128xi32, #tpu.memory_space<hbm>> -> memref<2x128xi32, #tpu.memory_space<hbm>>
    tpu.enqueue_dma source(%dma_start3A_13 : memref<2x128xi32, #tpu.memory_space<hbm>>) target(%arg6 : memref<2x128xi32, #tpu.memory_space<vmem>>) target_semaphore(%arg19 : memref<!tpu.dma_semaphore, #tpu.memory_space<semaphore_mem>>)
    %add3A_14 = arith.constant 1 : i32
    %add3A_15 = arith.addi %mul3A_4, %add3A_14 : i32
    %dma_start3A_16 = arith.constant 0 : i32
    %dma_start3A_17 = arith.constant 0 : i32
    %dma_start3A_18 = tpu.memref_slice %arg3[%add3A_15, %dma_start3A_16, %dma_start3A_17] : memref<2500x2x128xi32, #tpu.memory_space<hbm>> -> memref<1x2x128xi32, #tpu.memory_space<hbm>>
    %dma_start3A_19 = tpu.memref_squeeze %dma_start3A_18 : memref<1x2x128xi32, #tpu.memory_space<hbm>> -> memref<2x128xi32, #tpu.memory_space<hbm>>
    %dma_start3A_20 = arith.constant 0 : i32
    %dma_start3A_21 = arith.constant 0 : i32
    %dma_start3A_22 = tpu.memref_slice %arg3[%add3A_15, %dma_start3A_20, %dma_start3A_21] : memref<2500x2x128xi32, #tpu.memory_space<hbm>> -> memref<1x2x128xi32, #tpu.memory_space<hbm>>
    %dma_start3A_23 = tpu.memref_squeeze %dma_start3A_22 : memref<1x2x128xi32, #tpu.memory_space<hbm>> -> memref<2x128xi32, #tpu.memory_space<hbm>>
    tpu.enqueue_dma source(%dma_start3A_23 : memref<2x128xi32, #tpu.memory_space<hbm>>) target(%arg7 : memref<2x128xi32, #tpu.memory_space<vmem>>) target_semaphore(%arg20 : memref<!tpu.dma_semaphore, #tpu.memory_space<semaphore_mem>>)
    %add3A_24 = arith.constant 2 : i32
    %add3A_25 = arith.addi %mul3A_4, %add3A_24 : i32
    %dma_start3A_26 = arith.constant 0 : i32
    %dma_start3A_27 = arith.constant 0 : i32
    %dma_start3A_28 = tpu.memref_slice %arg3[%add3A_25, %dma_start3A_26, %dma_start3A_27] : memref<2500x2x128xi32, #tpu.memory_space<hbm>> -> memref<1x2x128xi32, #tpu.memory_space<hbm>>
    %dma_start3A_29 = tpu.memref_squeeze %dma_start3A_28 : memref<1x2x128xi32, #tpu.memory_space<hbm>> -> memref<2x128xi32, #tpu.memory_space<hbm>>
    %dma_start3A_30 = arith.constant 0 : i32
    %dma_start3A_31 = arith.constant 0 : i32
    %dma_start3A_32 = tpu.memref_slice %arg3[%add3A_25, %dma_start3A_30, %dma_start3A_31] : memref<2500x2x128xi32, #tpu.memory_space<hbm>> -> memref<1x2x128xi32, #tpu.memory_space<hbm>>
    %dma_start3A_33 = tpu.memref_squeeze %dma_start3A_32 : memref<1x2x128xi32, #tpu.memory_space<hbm>> -> memref<2x128xi32, #tpu.memory_space<hbm>>
    tpu.enqueue_dma source(%dma_start3A_33 : memref<2x128xi32, #tpu.memory_space<hbm>>) target(%arg8 : memref<2x128xi32, #tpu.memory_space<vmem>>) target_semaphore(%arg21 : memref<!tpu.dma_semaphore, #tpu.memory_space<semaphore_mem>>)
    %add3A_34 = arith.constant 3 : i32
    %add3A_35 = arith.addi %mul3A_4, %add3A_34 : i32
    %dma_start3A_36 = arith.constant 0 : i32
    %dma_start3A_37 = arith.constant 0 : i32
    %dma_start3A_38 = tpu.memref_slice %arg3[%add3A_35, %dma_start3A_36, %dma_start3A_37] : memref<2500x2x128xi32, #tpu.memory_space<hbm>> -> memref<1x2x128xi32, #tpu.memory_space<hbm>>
    %dma_start3A_39 = tpu.memref_squeeze %dma_start3A_38 : memref<1x2x128xi32, #tpu.memory_space<hbm>> -> memref<2x128xi32, #tpu.memory_space<hbm>>
    %dma_start3A_40 = arith.constant 0 : i32
    %dma_start3A_41 = arith.constant 0 : i32
    %dma_start3A_42 = tpu.memref_slice %arg3[%add3A_35, %dma_start3A_40, %dma_start3A_41] : memref<2500x2x128xi32, #tpu.memory_space<hbm>> -> memref<1x2x128xi32, #tpu.memory_space<hbm>>
    %dma_start3A_43 = tpu.memref_squeeze %dma_start3A_42 : memref<1x2x128xi32, #tpu.memory_space<hbm>> -> memref<2x128xi32, #tpu.memory_space<hbm>>
    tpu.enqueue_dma source(%dma_start3A_43 : memref<2x128xi32, #tpu.memory_space<hbm>>) target(%arg9 : memref<2x128xi32, #tpu.memory_space<vmem>>) target_semaphore(%arg22 : memref<!tpu.dma_semaphore, #tpu.memory_space<semaphore_mem>>)
    %dma_wait3A = arith.constant 0 : i32
    %dma_wait3A_44 = arith.constant 0 : i32
    %dma_wait3A_45 = arith.constant 0 : i32
    %dma_wait3A_46 = tpu.memref_slice %arg3[%dma_wait3A, %dma_wait3A_44, %dma_wait3A_45] : memref<2500x2x128xi32, #tpu.memory_space<hbm>> -> memref<1x2x128xi32, #tpu.memory_space<hbm>>
    %dma_wait3A_47 = tpu.memref_squeeze %dma_wait3A_46 : memref<1x2x128xi32, #tpu.memory_space<hbm>> -> memref<2x128xi32, #tpu.memory_space<hbm>>
    %dma_wait3A_48 = arith.constant 0 : i32
    %dma_wait3A_49 = arith.constant 0 : i32
    %dma_wait3A_50 = tpu.memref_slice %arg3[%dma_wait3A, %dma_wait3A_48, %dma_wait3A_49] : memref<2500x2x128xi32, #tpu.memory_space<hbm>> -> memref<1x2x128xi32, #tpu.memory_space<hbm>>
    %dma_wait3A_51 = tpu.memref_squeeze %dma_wait3A_50 : memref<1x2x128xi32, #tpu.memory_space<hbm>> -> memref<2x128xi32, #tpu.memory_space<hbm>>
    tpu.wait_dma2 semaphore(%arg19 : memref<!tpu.dma_semaphore, #tpu.memory_space<semaphore_mem>>) src(%dma_wait3A_51 : memref<2x128xi32, #tpu.memory_space<hbm>>) dst(%arg6 : memref<2x128xi32, #tpu.memory_space<vmem>>)
    %dma_start3A_52 = arith.constant 0 : i32
    %dma_start3A_53 = arith.constant 0 : i32
    %dma_start3A_54 = tpu.memref_slice %arg6[%dma_start3A_52, %dma_start3A_53] : memref<2x128xi32, #tpu.memory_space<vmem>> -> memref<1x128xi32, #tpu.memory_space<vmem>>
    %dma_start3A_55 = tpu.memref_squeeze %dma_start3A_54 : memref<1x128xi32, #tpu.memory_space<vmem>> -> memref<128xi32, #tpu.memory_space<vmem>>
    %dma_start3A_56 = arith.constant 0 : i32
    %dma_start3A_57 = arith.constant 0 : i32
    %dma_start3A_58 = tpu.memref_slice %arg2[%dma_start3A_56, %dma_start3A_57] : memref<10000x160xbf16, #tpu.memory_space<hbm>> -> memref<10000x160xbf16, #tpu.memory_space<hbm>>
    tpu.enqueue_indirect_dma source(%dma_start3A_58 : memref<10000x160xbf16, #tpu.memory_space<hbm>>) target(%arg10 : memref<128x160xbf16, #tpu.memory_space<vmem>>) offsets(%dma_start3A_55 : memref<128xi32, #tpu.memory_space<vmem>>) semaphore(%arg15 : memref<!tpu.dma_semaphore, #tpu.memory_space<semaphore_mem>>)
    %dma_wait3A_59 = arith.constant 0 : i32
    %dma_wait3A_60 = arith.constant 0 : i32
    %dma_wait3A_61 = arith.constant 0 : i32
    %dma_wait3A_62 = tpu.memref_slice %arg3[%dma_wait3A_59, %dma_wait3A_60, %dma_wait3A_61] : memref<2500x2x128xi32, #tpu.memory_space<hbm>> -> memref<1x2x128xi32, #tpu.memory_space<hbm>>
    %dma_wait3A_63 = tpu.memref_squeeze %dma_wait3A_62 : memref<1x2x128xi32, #tpu.memory_space<hbm>> -> memref<2x128xi32, #tpu.memory_space<hbm>>
    %dma_wait3A_64 = arith.constant 0 : i32
    %dma_wait3A_65 = arith.constant 0 : i32
    %dma_wait3A_66 = tpu.memref_slice %arg3[%dma_wait3A_59, %dma_wait3A_64, %dma_wait3A_65] : memref<2500x2x128xi32, #tpu.memory_space<hbm>> -> memref<1x2x128xi32, #tpu.memory_space<hbm>>
    %dma_wait3A_67 = tpu.memref_squeeze %dma_wait3A_66 : memref<1x2x128xi32, #tpu.memory_space<hbm>> -> memref<2x128xi32, #tpu.memory_space<hbm>>
    tpu.wait_dma2 semaphore(%arg20 : memref<!tpu.dma_semaphore, #tpu.memory_space<semaphore_mem>>) src(%dma_wait3A_67 : memref<2x128xi32, #tpu.memory_space<hbm>>) dst(%arg7 : memref<2x128xi32, #tpu.memory_space<vmem>>)
    %dma_start3A_68 = arith.constant 0 : i32
    %dma_start3A_69 = arith.constant 0 : i32
    %dma_start3A_70 = tpu.memref_slice %arg7[%dma_start3A_68, %dma_start3A_69] : memref<2x128xi32, #tpu.memory_space<vmem>> -> memref<1x128xi32, #tpu.memory_space<vmem>>
    %dma_start3A_71 = tpu.memref_squeeze %dma_start3A_70 : memref<1x128xi32, #tpu.memory_space<vmem>> -> memref<128xi32, #tpu.memory_space<vmem>>
    %dma_start3A_72 = arith.constant 0 : i32
    %dma_start3A_73 = arith.constant 0 : i32
    %dma_start3A_74 = tpu.memref_slice %arg2[%dma_start3A_72, %dma_start3A_73] : memref<10000x160xbf16, #tpu.memory_space<hbm>> -> memref<10000x160xbf16, #tpu.memory_space<hbm>>
    tpu.enqueue_indirect_dma source(%dma_start3A_74 : memref<10000x160xbf16, #tpu.memory_space<hbm>>) target(%arg11 : memref<128x160xbf16, #tpu.memory_space<vmem>>) offsets(%dma_start3A_71 : memref<128xi32, #tpu.memory_space<vmem>>) semaphore(%arg16 : memref<!tpu.dma_semaphore, #tpu.memory_space<semaphore_mem>>)
    %dma_wait3A_75 = arith.constant 0 : i32
    %dma_wait3A_76 = arith.constant 0 : i32
    %dma_wait3A_77 = arith.constant 0 : i32
    %dma_wait3A_78 = tpu.memref_slice %arg3[%dma_wait3A_75, %dma_wait3A_76, %dma_wait3A_77] : memref<2500x2x128xi32, #tpu.memory_space<hbm>> -> memref<1x2x128xi32, #tpu.memory_space<hbm>>
    %dma_wait3A_79 = tpu.memref_squeeze %dma_wait3A_78 : memref<1x2x128xi32, #tpu.memory_space<hbm>> -> memref<2x128xi32, #tpu.memory_space<hbm>>
    %dma_wait3A_80 = arith.constant 0 : i32
    %dma_wait3A_81 = arith.constant 0 : i32
    %dma_wait3A_82 = tpu.memref_slice %arg3[%dma_wait3A_75, %dma_wait3A_80, %dma_wait3A_81] : memref<2500x2x128xi32, #tpu.memory_space<hbm>> -> memref<1x2x128xi32, #tpu.memory_space<hbm>>
    %dma_wait3A_83 = tpu.memref_squeeze %dma_wait3A_82 : memref<1x2x128xi32, #tpu.memory_space<hbm>> -> memref<2x128xi32, #tpu.memory_space<hbm>>
    tpu.wait_dma2 semaphore(%arg21 : memref<!tpu.dma_semaphore, #tpu.memory_space<semaphore_mem>>) src(%dma_wait3A_83 : memref<2x128xi32, #tpu.memory_space<hbm>>) dst(%arg8 : memref<2x128xi32, #tpu.memory_space<vmem>>)
    %dma_start3A_84 = arith.constant 0 : i32
    %dma_start3A_85 = arith.constant 0 : i32
    %dma_start3A_86 = tpu.memref_slice %arg8[%dma_start3A_84, %dma_start3A_85] : memref<2x128xi32, #tpu.memory_space<vmem>> -> memref<1x128xi32, #tpu.memory_space<vmem>>
    %dma_start3A_87 = tpu.memref_squeeze %dma_start3A_86 : memref<1x128xi32, #tpu.memory_space<vmem>> -> memref<128xi32, #tpu.memory_space<vmem>>
    %dma_start3A_88 = arith.constant 0 : i32
    %dma_start3A_89 = arith.constant 0 : i32
    %dma_start3A_90 = tpu.memref_slice %arg2[%dma_start3A_88, %dma_start3A_89] : memref<10000x160xbf16, #tpu.memory_space<hbm>> -> memref<10000x160xbf16, #tpu.memory_space<hbm>>
    tpu.enqueue_indirect_dma source(%dma_start3A_90 : memref<10000x160xbf16, #tpu.memory_space<hbm>>) target(%arg12 : memref<128x160xbf16, #tpu.memory_space<vmem>>) offsets(%dma_start3A_87 : memref<128xi32, #tpu.memory_space<vmem>>) semaphore(%arg17 : memref<!tpu.dma_semaphore, #tpu.memory_space<semaphore_mem>>)
    %scan3A = arith.constant 0 : i32
    %scan3A_91 = arith.constant 0 : i32
    %scan3A_92 = arith.constant 19 : i32
    %scan3A_93 = arith.addi %scan3A_91, %scan3A_92 : i32
    %scan3A_94 = arith.constant 1 : i32
    scf.for %scan3A_134 = %scan3A_91 to %scan3A_93 step %scan3A_94  : i32 {
      %mul3A_135 = arith.constant 4 : i32
      %mul3A_136 = arith.muli %mul3A_135, %scan3A_134 : i32
      %add3A_137 = arith.addi %mul3A_4, %mul3A_136 : i32
      %dma_wait3A_138 = arith.constant 0 : i32
      %dma_wait3A_139 = arith.constant 0 : i32
      %dma_wait3A_140 = arith.constant 0 : i32
      %dma_wait3A_141 = tpu.memref_slice %arg3[%dma_wait3A_138, %dma_wait3A_139, %dma_wait3A_140] : memref<2500x2x128xi32, #tpu.memory_space<hbm>> -> memref<1x2x128xi32, #tpu.memory_space<hbm>>
      %dma_wait3A_142 = tpu.memref_squeeze %dma_wait3A_141 : memref<1x2x128xi32, #tpu.memory_space<hbm>> -> memref<2x128xi32, #tpu.memory_space<hbm>>
      %dma_wait3A_143 = arith.constant 0 : i32
      %dma_wait3A_144 = arith.constant 0 : i32
      %dma_wait3A_145 = tpu.memref_slice %arg3[%dma_wait3A_138, %dma_wait3A_143, %dma_wait3A_144] : memref<2500x2x128xi32, #tpu.memory_space<hbm>> -> memref<1x2x128xi32, #tpu.memory_space<hbm>>
      %dma_wait3A_146 = tpu.memref_squeeze %dma_wait3A_145 : memref<1x2x128xi32, #tpu.memory_space<hbm>> -> memref<2x128xi32, #tpu.memory_space<hbm>>
      tpu.wait_dma2 semaphore(%arg22 : memref<!tpu.dma_semaphore, #tpu.memory_space<semaphore_mem>>) src(%dma_wait3A_146 : memref<2x128xi32, #tpu.memory_space<hbm>>) dst(%arg9 : memref<2x128xi32, #tpu.memory_space<vmem>>)
      %dma_start3A_147 = arith.constant 0 : i32
      %dma_start3A_148 = arith.constant 0 : i32
      %dma_start3A_149 = tpu.memref_slice %arg9[%dma_start3A_147, %dma_start3A_148] : memref<2x128xi32, #tpu.memory_space<vmem>> -> memref<1x128xi32, #tpu.memory_space<vmem>>
      %dma_start3A_150 = tpu.memref_squeeze %dma_start3A_149 : memref<1x128xi32, #tpu.memory_space<vmem>> -> memref<128xi32, #tpu.memory_space<vmem>>
      %dma_start3A_151 = arith.constant 0 : i32
      %dma_start3A_152 = arith.constant 0 : i32
      %dma_start3A_153 = tpu.memref_slice %arg2[%dma_start3A_151, %dma_start3A_152] : memref<10000x160xbf16, #tpu.memory_space<hbm>> -> memref<10000x160xbf16, #tpu.memory_space<hbm>>
      tpu.enqueue_indirect_dma source(%dma_start3A_153 : memref<10000x160xbf16, #tpu.memory_space<hbm>>) target(%arg13 : memref<128x160xbf16, #tpu.memory_space<vmem>>) offsets(%dma_start3A_150 : memref<128xi32, #tpu.memory_space<vmem>>) semaphore(%arg18 : memref<!tpu.dma_semaphore, #tpu.memory_space<semaphore_mem>>)
      %dma_wait3A_154 = arith.constant 0 : i32
      %dma_wait3A_155 = arith.constant 0 : i32
      %dma_wait3A_156 = tpu.memref_slice %arg6[%dma_wait3A_154, %dma_wait3A_155] : memref<2x128xi32, #tpu.memory_space<vmem>> -> memref<1x128xi32, #tpu.memory_space<vmem>>
      %dma_wait3A_157 = tpu.memref_squeeze %dma_wait3A_156 : memref<1x128xi32, #tpu.memory_space<vmem>> -> memref<128xi32, #tpu.memory_space<vmem>>
      %dma_wait3A_158 = arith.constant 0 : i32
      %dma_wait3A_159 = arith.constant 0 : i32
      %dma_wait3A_160 = tpu.memref_slice %arg2[%dma_wait3A_158, %dma_wait3A_159] : memref<10000x160xbf16, #tpu.memory_space<hbm>> -> memref<10000x160xbf16, #tpu.memory_space<hbm>>
      tpu.wait_indirect_dma semaphore(%arg15 : memref<!tpu.dma_semaphore, #tpu.memory_space<semaphore_mem>>) src(%dma_wait3A_160 : memref<10000x160xbf16, #tpu.memory_space<hbm>>) dst(%arg10 : memref<128x160xbf16, #tpu.memory_space<vmem>>)
      %run_scoped3A_161 = arith.constant 1 : i32
      "tpu.region"() ({
        %run_scoped3A_280 = tpu.sem_alloc : memref<!tpu.dma_semaphore, #tpu.memory_space<semaphore_mem>>
        %dma_start3A_281 = arith.constant 0 : i32
        %dma_start3A_282 = tpu.memref_slice %arg6[%run_scoped3A_161, %dma_start3A_281] : memref<2x128xi32, #tpu.memory_space<vmem>> -> memref<1x128xi32, #tpu.memory_space<vmem>>
        %dma_start3A_283 = tpu.memref_squeeze %dma_start3A_282 : memref<1x128xi32, #tpu.memory_space<vmem>> -> memref<128xi32, #tpu.memory_space<vmem>>
        %dma_start3A_284 = arith.constant 0 : i32
        %dma_start3A_285 = arith.constant 0 : i32
        %dma_start3A_286 = tpu.memref_slice %arg14[%dma_start3A_284, %dma_start3A_285] : memref<10240x160xbf16, #tpu.memory_space<vmem_shared>> -> memref<10240x160xbf16, #tpu.memory_space<vmem_shared>>
        tpu.enqueue_indirect_dma source(%arg10 : memref<128x160xbf16, #tpu.memory_space<vmem>>) target(%dma_start3A_286 : memref<10240x160xbf16, #tpu.memory_space<vmem_shared>>) offsets(%dma_start3A_283 : memref<128xi32, #tpu.memory_space<vmem>>) semaphore(%run_scoped3A_280 : memref<!tpu.dma_semaphore, #tpu.memory_space<semaphore_mem>>) {add = true}
        %dma_wait3A_287 = arith.constant 0 : i32
        %dma_wait3A_288 = tpu.memref_slice %arg6[%run_scoped3A_161, %dma_wait3A_287] : memref<2x128xi32, #tpu.memory_space<vmem>> -> memref<1x128xi32, #tpu.memory_space<vmem>>
        %dma_wait3A_289 = tpu.memref_squeeze %dma_wait3A_288 : memref<1x128xi32, #tpu.memory_space<vmem>> -> memref<128xi32, #tpu.memory_space<vmem>>
        %dma_wait3A_290 = arith.constant 0 : i32
        %dma_wait3A_291 = arith.constant 0 : i32
        %dma_wait3A_292 = tpu.memref_slice %arg14[%dma_wait3A_290, %dma_wait3A_291] : memref<10240x160xbf16, #tpu.memory_space<vmem_shared>> -> memref<10240x160xbf16, #tpu.memory_space<vmem_shared>>
        tpu.wait_indirect_dma semaphore(%run_scoped3A_280 : memref<!tpu.dma_semaphore, #tpu.memory_space<semaphore_mem>>) src(%arg10 : memref<128x160xbf16, #tpu.memory_space<vmem>>) dst(%dma_wait3A_292 : memref<10240x160xbf16, #tpu.memory_space<vmem_shared>>)
        tpu.yield
      }) : () -> ()
      %add3A_162 = arith.constant 4 : i32
      %add3A_163 = arith.addi %add3A_137, %add3A_162 : i32
      %add3A_164 = arith.constant 0 : i32
      %add3A_165 = arith.addi %add3A_163, %add3A_164 : i32
      %dma_start3A_166 = arith.constant 0 : i32
      %dma_start3A_167 = arith.constant 0 : i32
      %dma_start3A_168 = tpu.memref_slice %arg3[%add3A_165, %dma_start3A_166, %dma_start3A_167] : memref<2500x2x128xi32, #tpu.memory_space<hbm>> -> memref<1x2x128xi32, #tpu.memory_space<hbm>>
      %dma_start3A_169 = tpu.memref_squeeze %dma_start3A_168 : memref<1x2x128xi32, #tpu.memory_space<hbm>> -> memref<2x128xi32, #tpu.memory_space<hbm>>
      %dma_start3A_170 = arith.constant 0 : i32
      %dma_start3A_171 = arith.constant 0 : i32
      %dma_start3A_172 = tpu.memref_slice %arg3[%add3A_165, %dma_start3A_170, %dma_start3A_171] : memref<2500x2x128xi32, #tpu.memory_space<hbm>> -> memref<1x2x128xi32, #tpu.memory_space<hbm>>
      %dma_start3A_173 = tpu.memref_squeeze %dma_start3A_172 : memref<1x2x128xi32, #tpu.memory_space<hbm>> -> memref<2x128xi32, #tpu.memory_space<hbm>>
      tpu.enqueue_dma source(%dma_start3A_173 : memref<2x128xi32, #tpu.memory_space<hbm>>) target(%arg6 : memref<2x128xi32, #tpu.memory_space<vmem>>) target_semaphore(%arg19 : memref<!tpu.dma_semaphore, #tpu.memory_space<semaphore_mem>>)
      %dma_wait3A_174 = arith.constant 0 : i32
      %dma_wait3A_175 = arith.constant 0 : i32
      %dma_wait3A_176 = tpu.memref_slice %arg7[%dma_wait3A_174, %dma_wait3A_175] : memref<2x128xi32, #tpu.memory_space<vmem>> -> memref<1x128xi32, #tpu.memory_space<vmem>>
      %dma_wait3A_177 = tpu.memref_squeeze %dma_wait3A_176 : memref<1x128xi32, #tpu.memory_space<vmem>> -> memref<128xi32, #tpu.memory_space<vmem>>
      %dma_wait3A_178 = arith.constant 0 : i32
      %dma_wait3A_179 = arith.constant 0 : i32
      %dma_wait3A_180 = tpu.memref_slice %arg2[%dma_wait3A_178, %dma_wait3A_179] : memref<10000x160xbf16, #tpu.memory_space<hbm>> -> memref<10000x160xbf16, #tpu.memory_space<hbm>>
      tpu.wait_indirect_dma semaphore(%arg16 : memref<!tpu.dma_semaphore, #tpu.memory_space<semaphore_mem>>) src(%dma_wait3A_180 : memref<10000x160xbf16, #tpu.memory_space<hbm>>) dst(%arg11 : memref<128x160xbf16, #tpu.memory_space<vmem>>)
      %run_scoped3A_181 = arith.constant 1 : i32
      "tpu.region"() ({
        %run_scoped3A_280 = tpu.sem_alloc : memref<!tpu.dma_semaphore, #tpu.memory_space<semaphore_mem>>
        %dma_start3A_281 = arith.constant 0 : i32
        %dma_start3A_282 = tpu.memref_slice %arg7[%run_scoped3A_181, %dma_start3A_281] : memref<2x128xi32, #tpu.memory_space<vmem>> -> memref<1x128xi32, #tpu.memory_space<vmem>>
        %dma_start3A_283 = tpu.memref_squeeze %dma_start3A_282 : memref<1x128xi32, #tpu.memory_space<vmem>> -> memref<128xi32, #tpu.memory_space<vmem>>
        %dma_start3A_284 = arith.constant 0 : i32
        %dma_start3A_285 = arith.constant 0 : i32
        %dma_start3A_286 = tpu.memref_slice %arg14[%dma_start3A_284, %dma_start3A_285] : memref<10240x160xbf16, #tpu.memory_space<vmem_shared>> -> memref<10240x160xbf16, #tpu.memory_space<vmem_shared>>
        tpu.enqueue_indirect_dma source(%arg11 : memref<128x160xbf16, #tpu.memory_space<vmem>>) target(%dma_start3A_286 : memref<10240x160xbf16, #tpu.memory_space<vmem_shared>>) offsets(%dma_start3A_283 : memref<128xi32, #tpu.memory_space<vmem>>) semaphore(%run_scoped3A_280 : memref<!tpu.dma_semaphore, #tpu.memory_space<semaphore_mem>>) {add = true}
        %dma_wait3A_287 = arith.constant 0 : i32
        %dma_wait3A_288 = tpu.memref_slice %arg7[%run_scoped3A_181, %dma_wait3A_287] : memref<2x128xi32, #tpu.memory_space<vmem>> -> memref<1x128xi32, #tpu.memory_space<vmem>>
        %dma_wait3A_289 = tpu.memref_squeeze %dma_wait3A_288 : memref<1x128xi32, #tpu.memory_space<vmem>> -> memref<128xi32, #tpu.memory_space<vmem>>
        %dma_wait3A_290 = arith.constant 0 : i32
        %dma_wait3A_291 = arith.constant 0 : i32
        %dma_wait3A_292 = tpu.memref_slice %arg14[%dma_wait3A_290, %dma_wait3A_291] : memref<10240x160xbf16, #tpu.memory_space<vmem_shared>> -> memref<10240x160xbf16, #tpu.memory_space<vmem_shared>>
        tpu.wait_indirect_dma semaphore(%run_scoped3A_280 : memref<!tpu.dma_semaphore, #tpu.memory_space<semaphore_mem>>) src(%arg11 : memref<128x160xbf16, #tpu.memory_space<vmem>>) dst(%dma_wait3A_292 : memref<10240x160xbf16, #tpu.memory_space<vmem_shared>>)
        tpu.yield
      }) : () -> ()
      %add3A_182 = arith.constant 4 : i32
      %add3A_183 = arith.addi %add3A_137, %add3A_182 : i32
      %add3A_184 = arith.constant 1 : i32
      %add3A_185 = arith.addi %add3A_183, %add3A_184 : i32
      %dma_start3A_186 = arith.constant 0 : i32
      %dma_start3A_187 = arith.constant 0 : i32
      %dma_start3A_188 = tpu.memref_slice %arg3[%add3A_185, %dma_start3A_186, %dma_start3A_187] : memref<2500x2x128xi32, #tpu.memory_space<hbm>> -> memref<1x2x128xi32, #tpu.memory_space<hbm>>
      %dma_start3A_189 = tpu.memref_squeeze %dma_start3A_188 : memref<1x2x128xi32, #tpu.memory_space<hbm>> -> memref<2x128xi32, #tpu.memory_space<hbm>>
      %dma_start3A_190 = arith.constant 0 : i32
      %dma_start3A_191 = arith.constant 0 : i32
      %dma_start3A_192 = tpu.memref_slice %arg3[%add3A_185, %dma_start3A_190, %dma_start3A_191] : memref<2500x2x128xi32, #tpu.memory_space<hbm>> -> memref<1x2x128xi32, #tpu.memory_space<hbm>>
      %dma_start3A_193 = tpu.memref_squeeze %dma_start3A_192 : memref<1x2x128xi32, #tpu.memory_space<hbm>> -> memref<2x128xi32, #tpu.memory_space<hbm>>
      tpu.enqueue_dma source(%dma_start3A_193 : memref<2x128xi32, #tpu.memory_space<hbm>>) target(%arg7 : memref<2x128xi32, #tpu.memory_space<vmem>>) target_semaphore(%arg20 : memref<!tpu.dma_semaphore, #tpu.memory_space<semaphore_mem>>)
      %dma_wait3A_194 = arith.constant 0 : i32
      %dma_wait3A_195 = arith.constant 0 : i32
      %dma_wait3A_196 = tpu.memref_slice %arg8[%dma_wait3A_194, %dma_wait3A_195] : memref<2x128xi32, #tpu.memory_space<vmem>> -> memref<1x128xi32, #tpu.memory_space<vmem>>
      %dma_wait3A_197 = tpu.memref_squeeze %dma_wait3A_196 : memref<1x128xi32, #tpu.memory_space<vmem>> -> memref<128xi32, #tpu.memory_space<vmem>>
      %dma_wait3A_198 = arith.constant 0 : i32
      %dma_wait3A_199 = arith.constant 0 : i32
      %dma_wait3A_200 = tpu.memref_slice %arg2[%dma_wait3A_198, %dma_wait3A_199] : memref<10000x160xbf16, #tpu.memory_space<hbm>> -> memref<10000x160xbf16, #tpu.memory_space<hbm>>
      tpu.wait_indirect_dma semaphore(%arg17 : memref<!tpu.dma_semaphore, #tpu.memory_space<semaphore_mem>>) src(%dma_wait3A_200 : memref<10000x160xbf16, #tpu.memory_space<hbm>>) dst(%arg12 : memref<128x160xbf16, #tpu.memory_space<vmem>>)
      %run_scoped3A_201 = arith.constant 1 : i32
      "tpu.region"() ({
        %run_scoped3A_280 = tpu.sem_alloc : memref<!tpu.dma_semaphore, #tpu.memory_space<semaphore_mem>>
        %dma_start3A_281 = arith.constant 0 : i32
        %dma_start3A_282 = tpu.memref_slice %arg8[%run_scoped3A_201, %dma_start3A_281] : memref<2x128xi32, #tpu.memory_space<vmem>> -> memref<1x128xi32, #tpu.memory_space<vmem>>
        %dma_start3A_283 = tpu.memref_squeeze %dma_start3A_282 : memref<1x128xi32, #tpu.memory_space<vmem>> -> memref<128xi32, #tpu.memory_space<vmem>>
        %dma_start3A_284 = arith.constant 0 : i32
        %dma_start3A_285 = arith.constant 0 : i32
        %dma_start3A_286 = tpu.memref_slice %arg14[%dma_start3A_284, %dma_start3A_285] : memref<10240x160xbf16, #tpu.memory_space<vmem_shared>> -> memref<10240x160xbf16, #tpu.memory_space<vmem_shared>>
        tpu.enqueue_indirect_dma source(%arg12 : memref<128x160xbf16, #tpu.memory_space<vmem>>) target(%dma_start3A_286 : memref<10240x160xbf16, #tpu.memory_space<vmem_shared>>) offsets(%dma_start3A_283 : memref<128xi32, #tpu.memory_space<vmem>>) semaphore(%run_scoped3A_280 : memref<!tpu.dma_semaphore, #tpu.memory_space<semaphore_mem>>) {add = true}
        %dma_wait3A_287 = arith.constant 0 : i32
        %dma_wait3A_288 = tpu.memref_slice %arg8[%run_scoped3A_201, %dma_wait3A_287] : memref<2x128xi32, #tpu.memory_space<vmem>> -> memref<1x128xi32, #tpu.memory_space<vmem>>
        %dma_wait3A_289 = tpu.memref_squeeze %dma_wait3A_288 : memref<1x128xi32, #tpu.memory_space<vmem>> -> memref<128xi32, #tpu.memory_space<vmem>>
        %dma_wait3A_290 = arith.constant 0 : i32
        %dma_wait3A_291 = arith.constant 0 : i32
        %dma_wait3A_292 = tpu.memref_slice %arg14[%dma_wait3A_290, %dma_wait3A_291] : memref<10240x160xbf16, #tpu.memory_space<vmem_shared>> -> memref<10240x160xbf16, #tpu.memory_space<vmem_shared>>
        tpu.wait_indirect_dma semaphore(%run_scoped3A_280 : memref<!tpu.dma_semaphore, #tpu.memory_space<semaphore_mem>>) src(%arg12 : memref<128x160xbf16, #tpu.memory_space<vmem>>) dst(%dma_wait3A_292 : memref<10240x160xbf16, #tpu.memory_space<vmem_shared>>)
        tpu.yield
      }) : () -> ()
      %add3A_202 = arith.constant 4 : i32
      %add3A_203 = arith.addi %add3A_137, %add3A_202 : i32
      %add3A_204 = arith.constant 2 : i32
      %add3A_205 = arith.addi %add3A_203, %add3A_204 : i32
      %dma_start3A_206 = arith.constant 0 : i32
      %dma_start3A_207 = arith.constant 0 : i32
      %dma_start3A_208 = tpu.memref_slice %arg3[%add3A_205, %dma_start3A_206, %dma_start3A_207] : memref<2500x2x128xi32, #tpu.memory_space<hbm>> -> memref<1x2x128xi32, #tpu.memory_space<hbm>>
      %dma_start3A_209 = tpu.memref_squeeze %dma_start3A_208 : memref<1x2x128xi32, #tpu.memory_space<hbm>> -> memref<2x128xi32, #tpu.memory_space<hbm>>
      %dma_start3A_210 = arith.constant 0 : i32
      %dma_start3A_211 = arith.constant 0 : i32
      %dma_start3A_212 = tpu.memref_slice %arg3[%add3A_205, %dma_start3A_210, %dma_start3A_211] : memref<2500x2x128xi32, #tpu.memory_space<hbm>> -> memref<1x2x128xi32, #tpu.memory_space<hbm>>
      %dma_start3A_213 = tpu.memref_squeeze %dma_start3A_212 : memref<1x2x128xi32, #tpu.memory_space<hbm>> -> memref<2x128xi32, #tpu.memory_space<hbm>>
      tpu.enqueue_dma source(%dma_start3A_213 : memref<2x128xi32, #tpu.memory_space<hbm>>) target(%arg8 : memref<2x128xi32, #tpu.memory_space<vmem>>) target_semaphore(%arg21 : memref<!tpu.dma_semaphore, #tpu.memory_space<semaphore_mem>>)
      %dma_wait3A_214 = arith.constant 0 : i32
      %dma_wait3A_215 = arith.constant 0 : i32
      %dma_wait3A_216 = arith.constant 0 : i32
      %dma_wait3A_217 = tpu.memref_slice %arg3[%dma_wait3A_214, %dma_wait3A_215, %dma_wait3A_216] : memref<2500x2x128xi32, #tpu.memory_space<hbm>> -> memref<1x2x128xi32, #tpu.memory_space<hbm>>
      %dma_wait3A_218 = tpu.memref_squeeze %dma_wait3A_217 : memref<1x2x128xi32, #tpu.memory_space<hbm>> -> memref<2x128xi32, #tpu.memory_space<hbm>>
      %dma_wait3A_219 = arith.constant 0 : i32
      %dma_wait3A_220 = arith.constant 0 : i32
      %dma_wait3A_221 = tpu.memref_slice %arg3[%dma_wait3A_214, %dma_wait3A_219, %dma_wait3A_220] : memref<2500x2x128xi32, #tpu.memory_space<hbm>> -> memref<1x2x128xi32, #tpu.memory_space<hbm>>
      %dma_wait3A_222 = tpu.memref_squeeze %dma_wait3A_221 : memref<1x2x128xi32, #tpu.memory_space<hbm>> -> memref<2x128xi32, #tpu.memory_space<hbm>>
      tpu.wait_dma2 semaphore(%arg19 : memref<!tpu.dma_semaphore, #tpu.memory_space<semaphore_mem>>) src(%dma_wait3A_222 : memref<2x128xi32, #tpu.memory_space<hbm>>) dst(%arg6 : memref<2x128xi32, #tpu.memory_space<vmem>>)
      %dma_start3A_223 = arith.constant 0 : i32
      %dma_start3A_224 = arith.constant 0 : i32
      %dma_start3A_225 = tpu.memref_slice %arg6[%dma_start3A_223, %dma_start3A_224] : memref<2x128xi32, #tpu.memory_space<vmem>> -> memref<1x128xi32, #tpu.memory_space<vmem>>
      %dma_start3A_226 = tpu.memref_squeeze %dma_start3A_225 : memref<1x128xi32, #tpu.memory_space<vmem>> -> memref<128xi32, #tpu.memory_space<vmem>>
      %dma_start3A_227 = arith.constant 0 : i32
      %dma_start3A_228 = arith.constant 0 : i32
      %dma_start3A_229 = tpu.memref_slice %arg2[%dma_start3A_227, %dma_start3A_228] : memref<10000x160xbf16, #tpu.memory_space<hbm>> -> memref<10000x160xbf16, #tpu.memory_space<hbm>>
      tpu.enqueue_indirect_dma source(%dma_start3A_229 : memref<10000x160xbf16, #tpu.memory_space<hbm>>) target(%arg10 : memref<128x160xbf16, #tpu.memory_space<vmem>>) offsets(%dma_start3A_226 : memref<128xi32, #tpu.memory_space<vmem>>) semaphore(%arg15 : memref<!tpu.dma_semaphore, #tpu.memory_space<semaphore_mem>>)
      %dma_wait3A_230 = arith.constant 0 : i32
      %dma_wait3A_231 = arith.constant 0 : i32
      %dma_wait3A_232 = arith.constant 0 : i32
      %dma_wait3A_233 = tpu.memref_slice %arg3[%dma_wait3A_230, %dma_wait3A_231, %dma_wait3A_232] : memref<2500x2x128xi32, #tpu.memory_space<hbm>> -> memref<1x2x128xi32, #tpu.memory_space<hbm>>
      %dma_wait3A_234 = tpu.memref_squeeze %dma_wait3A_233 : memref<1x2x128xi32, #tpu.memory_space<hbm>> -> memref<2x128xi32, #tpu.memory_space<hbm>>
      %dma_wait3A_235 = arith.constant 0 : i32
      %dma_wait3A_236 = arith.constant 0 : i32
      %dma_wait3A_237 = tpu.memref_slice %arg3[%dma_wait3A_230, %dma_wait3A_235, %dma_wait3A_236] : memref<2500x2x128xi32, #tpu.memory_space<hbm>> -> memref<1x2x128xi32, #tpu.memory_space<hbm>>
      %dma_wait3A_238 = tpu.memref_squeeze %dma_wait3A_237 : memref<1x2x128xi32, #tpu.memory_space<hbm>> -> memref<2x128xi32, #tpu.memory_space<hbm>>
      tpu.wait_dma2 semaphore(%arg20 : memref<!tpu.dma_semaphore, #tpu.memory_space<semaphore_mem>>) src(%dma_wait3A_238 : memref<2x128xi32, #tpu.memory_space<hbm>>) dst(%arg7 : memref<2x128xi32, #tpu.memory_space<vmem>>)
      %dma_start3A_239 = arith.constant 0 : i32
      %dma_start3A_240 = arith.constant 0 : i32
      %dma_start3A_241 = tpu.memref_slice %arg7[%dma_start3A_239, %dma_start3A_240] : memref<2x128xi32, #tpu.memory_space<vmem>> -> memref<1x128xi32, #tpu.memory_space<vmem>>
      %dma_start3A_242 = tpu.memref_squeeze %dma_start3A_241 : memref<1x128xi32, #tpu.memory_space<vmem>> -> memref<128xi32, #tpu.memory_space<vmem>>
      %dma_start3A_243 = arith.constant 0 : i32
      %dma_start3A_244 = arith.constant 0 : i32
      %dma_start3A_245 = tpu.memref_slice %arg2[%dma_start3A_243, %dma_start3A_244] : memref<10000x160xbf16, #tpu.memory_space<hbm>> -> memref<10000x160xbf16, #tpu.memory_space<hbm>>
      tpu.enqueue_indirect_dma source(%dma_start3A_245 : memref<10000x160xbf16, #tpu.memory_space<hbm>>) target(%arg11 : memref<128x160xbf16, #tpu.memory_space<vmem>>) offsets(%dma_start3A_242 : memref<128xi32, #tpu.memory_space<vmem>>) semaphore(%arg16 : memref<!tpu.dma_semaphore, #tpu.memory_space<semaphore_mem>>)
      %dma_wait3A_246 = arith.constant 0 : i32
      %dma_wait3A_247 = arith.constant 0 : i32
      %dma_wait3A_248 = tpu.memref_slice %arg9[%dma_wait3A_246, %dma_wait3A_247] : memref<2x128xi32, #tpu.memory_space<vmem>> -> memref<1x128xi32, #tpu.memory_space<vmem>>
      %dma_wait3A_249 = tpu.memref_squeeze %dma_wait3A_248 : memref<1x128xi32, #tpu.memory_space<vmem>> -> memref<128xi32, #tpu.memory_space<vmem>>
      %dma_wait3A_250 = arith.constant 0 : i32
      %dma_wait3A_251 = arith.constant 0 : i32
      %dma_wait3A_252 = tpu.memref_slice %arg2[%dma_wait3A_250, %dma_wait3A_251] : memref<10000x160xbf16, #tpu.memory_space<hbm>> -> memref<10000x160xbf16, #tpu.memory_space<hbm>>
      tpu.wait_indirect_dma semaphore(%arg18 : memref<!tpu.dma_semaphore, #tpu.memory_space<semaphore_mem>>) src(%dma_wait3A_252 : memref<10000x160xbf16, #tpu.memory_space<hbm>>) dst(%arg13 : memref<128x160xbf16, #tpu.memory_space<vmem>>)
      %run_scoped3A_253 = arith.constant 1 : i32
      "tpu.region"() ({
        %run_scoped3A_280 = tpu.sem_alloc : memref<!tpu.dma_semaphore, #tpu.memory_space<semaphore_mem>>
        %dma_start3A_281 = arith.constant 0 : i32
        %dma_start3A_282 = tpu.memref_slice %arg9[%run_scoped3A_253, %dma_start3A_281] : memref<2x128xi32, #tpu.memory_space<vmem>> -> memref<1x128xi32, #tpu.memory_space<vmem>>
        %dma_start3A_283 = tpu.memref_squeeze %dma_start3A_282 : memref<1x128xi32, #tpu.memory_space<vmem>> -> memref<128xi32, #tpu.memory_space<vmem>>
        %dma_start3A_284 = arith.constant 0 : i32
        %dma_start3A_285 = arith.constant 0 : i32
        %dma_start3A_286 = tpu.memref_slice %arg14[%dma_start3A_284, %dma_start3A_285] : memref<10240x160xbf16, #tpu.memory_space<vmem_shared>> -> memref<10240x160xbf16, #tpu.memory_space<vmem_shared>>
        tpu.enqueue_indirect_dma source(%arg13 : memref<128x160xbf16, #tpu.memory_space<vmem>>) target(%dma_start3A_286 : memref<10240x160xbf16, #tpu.memory_space<vmem_shared>>) offsets(%dma_start3A_283 : memref<128xi32, #tpu.memory_space<vmem>>) semaphore(%run_scoped3A_280 : memref<!tpu.dma_semaphore, #tpu.memory_space<semaphore_mem>>) {add = true}
        %dma_wait3A_287 = arith.constant 0 : i32
        %dma_wait3A_288 = tpu.memref_slice %arg9[%run_scoped3A_253, %dma_wait3A_287] : memref<2x128xi32, #tpu.memory_space<vmem>> -> memref<1x128xi32, #tpu.memory_space<vmem>>
        %dma_wait3A_289 = tpu.memref_squeeze %dma_wait3A_288 : memref<1x128xi32, #tpu.memory_space<vmem>> -> memref<128xi32, #tpu.memory_space<vmem>>
        %dma_wait3A_290 = arith.constant 0 : i32
        %dma_wait3A_291 = arith.constant 0 : i32
        %dma_wait3A_292 = tpu.memref_slice %arg14[%dma_wait3A_290, %dma_wait3A_291] : memref<10240x160xbf16, #tpu.memory_space<vmem_shared>> -> memref<10240x160xbf16, #tpu.memory_space<vmem_shared>>
        tpu.wait_indirect_dma semaphore(%run_scoped3A_280 : memref<!tpu.dma_semaphore, #tpu.memory_space<semaphore_mem>>) src(%arg13 : memref<128x160xbf16, #tpu.memory_space<vmem>>) dst(%dma_wait3A_292 : memref<10240x160xbf16, #tpu.memory_space<vmem_shared>>)
        tpu.yield
      }) : () -> ()
      %add3A_254 = arith.constant 7 : i32
      %add3A_255 = arith.addi %add3A_137, %add3A_254 : i32
      %dma_start3A_256 = arith.constant 0 : i32
      %dma_start3A_257 = arith.constant 0 : i32
      %dma_start3A_258 = tpu.memref_slice %arg3[%add3A_255, %dma_start3A_256, %dma_start3A_257] : memref<2500x2x128xi32, #tpu.memory_space<hbm>> -> memref<1x2x128xi32, #tpu.memory_space<hbm>>
      %dma_start3A_259 = tpu.memref_squeeze %dma_start3A_258 : memref<1x2x128xi32, #tpu.memory_space<hbm>> -> memref<2x128xi32, #tpu.memory_space<hbm>>
      %dma_start3A_260 = arith.constant 0 : i32
      %dma_start3A_261 = arith.constant 0 : i32
      %dma_start3A_262 = tpu.memref_slice %arg3[%add3A_255, %dma_start3A_260, %dma_start3A_261] : memref<2500x2x128xi32, #tpu.memory_space<hbm>> -> memref<1x2x128xi32, #tpu.memory_space<hbm>>
      %dma_start3A_263 = tpu.memref_squeeze %dma_start3A_262 : memref<1x2x128xi32, #tpu.memory_space<hbm>> -> memref<2x128xi32, #tpu.memory_space<hbm>>
      tpu.enqueue_dma source(%dma_start3A_263 : memref<2x128xi32, #tpu.memory_space<hbm>>) target(%arg9 : memref<2x128xi32, #tpu.memory_space<vmem>>) target_semaphore(%arg22 : memref<!tpu.dma_semaphore, #tpu.memory_space<semaphore_mem>>)
      %dma_wait3A_264 = arith.constant 0 : i32
      %dma_wait3A_265 = arith.constant 0 : i32
      %dma_wait3A_266 = arith.constant 0 : i32
      %dma_wait3A_267 = tpu.memref_slice %arg3[%dma_wait3A_264, %dma_wait3A_265, %dma_wait3A_266] : memref<2500x2x128xi32, #tpu.memory_space<hbm>> -> memref<1x2x128xi32, #tpu.memory_space<hbm>>
      %dma_wait3A_268 = tpu.memref_squeeze %dma_wait3A_267 : memref<1x2x128xi32, #tpu.memory_space<hbm>> -> memref<2x128xi32, #tpu.memory_space<hbm>>
      %dma_wait3A_269 = arith.constant 0 : i32
      %dma_wait3A_270 = arith.constant 0 : i32
      %dma_wait3A_271 = tpu.memref_slice %arg3[%dma_wait3A_264, %dma_wait3A_269, %dma_wait3A_270] : memref<2500x2x128xi32, #tpu.memory_space<hbm>> -> memref<1x2x128xi32, #tpu.memory_space<hbm>>
      %dma_wait3A_272 = tpu.memref_squeeze %dma_wait3A_271 : memref<1x2x128xi32, #tpu.memory_space<hbm>> -> memref<2x128xi32, #tpu.memory_space<hbm>>
      tpu.wait_dma2 semaphore(%arg21 : memref<!tpu.dma_semaphore, #tpu.memory_space<semaphore_mem>>) src(%dma_wait3A_272 : memref<2x128xi32, #tpu.memory_space<hbm>>) dst(%arg8 : memref<2x128xi32, #tpu.memory_space<vmem>>)
      %dma_start3A_273 = arith.constant 0 : i32
      %dma_start3A_274 = arith.constant 0 : i32
      %dma_start3A_275 = tpu.memref_slice %arg8[%dma_start3A_273, %dma_start3A_274] : memref<2x128xi32, #tpu.memory_space<vmem>> -> memref<1x128xi32, #tpu.memory_space<vmem>>
      %dma_start3A_276 = tpu.memref_squeeze %dma_start3A_275 : memref<1x128xi32, #tpu.memory_space<vmem>> -> memref<128xi32, #tpu.memory_space<vmem>>
      %dma_start3A_277 = arith.constant 0 : i32
      %dma_start3A_278 = arith.constant 0 : i32
      %dma_start3A_279 = tpu.memref_slice %arg2[%dma_start3A_277, %dma_start3A_278] : memref<10000x160xbf16, #tpu.memory_space<hbm>> -> memref<10000x160xbf16, #tpu.memory_space<hbm>>
      tpu.enqueue_indirect_dma source(%dma_start3A_279 : memref<10000x160xbf16, #tpu.memory_space<hbm>>) target(%arg12 : memref<128x160xbf16, #tpu.memory_space<vmem>>) offsets(%dma_start3A_276 : memref<128xi32, #tpu.memory_space<vmem>>) semaphore(%arg17 : memref<!tpu.dma_semaphore, #tpu.memory_space<semaphore_mem>>)
    }
    %scan3A_95 = arith.constant 19 : i32
    %dma_wait3A_96 = arith.constant 0 : i32
    %dma_wait3A_97 = arith.constant 0 : i32
    %dma_wait3A_98 = tpu.memref_slice %arg6[%dma_wait3A_96, %dma_wait3A_97] : memref<2x128xi32, #tpu.memory_space<vmem>> -> memref<1x128xi32, #tpu.memory_space<vmem>>
    %dma_wait3A_99 = tpu.memref_squeeze %dma_wait3A_98 : memref<1x128xi32, #tpu.memory_space<vmem>> -> memref<128xi32, #tpu.memory_space<vmem>>
    %dma_wait3A_100 = arith.constant 0 : i32
    %dma_wait3A_101 = arith.constant 0 : i32
    %dma_wait3A_102 = tpu.memref_slice %arg2[%dma_wait3A_100, %dma_wait3A_101] : memref<10000x160xbf16, #tpu.memory_space<hbm>> -> memref<10000x160xbf16, #tpu.memory_space<hbm>>
    tpu.wait_indirect_dma semaphore(%arg15 : memref<!tpu.dma_semaphore, #tpu.memory_space<semaphore_mem>>) src(%dma_wait3A_102 : memref<10000x160xbf16, #tpu.memory_space<hbm>>) dst(%arg10 : memref<128x160xbf16, #tpu.memory_space<vmem>>)
    %run_scoped3A = arith.constant 1 : i32
    "tpu.region"() ({
      %run_scoped3A_134 = tpu.sem_alloc : memref<!tpu.dma_semaphore, #tpu.memory_space<semaphore_mem>>
      %dma_start3A_135 = arith.constant 0 : i32
      %dma_start3A_136 = tpu.memref_slice %arg6[%run_scoped3A, %dma_start3A_135] : memref<2x128xi32, #tpu.memory_space<vmem>> -> memref<1x128xi32, #tpu.memory_space<vmem>>
      %dma_start3A_137 = tpu.memref_squeeze %dma_start3A_136 : memref<1x128xi32, #tpu.memory_space<vmem>> -> memref<128xi32, #tpu.memory_space<vmem>>
      %dma_start3A_138 = arith.constant 0 : i32
      %dma_start3A_139 = arith.constant 0 : i32
      %dma_start3A_140 = tpu.memref_slice %arg14[%dma_start3A_138, %dma_start3A_139] : memref<10240x160xbf16, #tpu.memory_space<vmem_shared>> -> memref<10240x160xbf16, #tpu.memory_space<vmem_shared>>
      tpu.enqueue_indirect_dma source(%arg10 : memref<128x160xbf16, #tpu.memory_space<vmem>>) target(%dma_start3A_140 : memref<10240x160xbf16, #tpu.memory_space<vmem_shared>>) offsets(%dma_start3A_137 : memref<128xi32, #tpu.memory_space<vmem>>) semaphore(%run_scoped3A_134 : memref<!tpu.dma_semaphore, #tpu.memory_space<semaphore_mem>>) {add = true}
      %dma_wait3A_141 = arith.constant 0 : i32
      %dma_wait3A_142 = tpu.memref_slice %arg6[%run_scoped3A, %dma_wait3A_141] : memref<2x128xi32, #tpu.memory_space<vmem>> -> memref<1x128xi32, #tpu.memory_space<vmem>>
      %dma_wait3A_143 = tpu.memref_squeeze %dma_wait3A_142 : memref<1x128xi32, #tpu.memory_space<vmem>> -> memref<128xi32, #tpu.memory_space<vmem>>
      %dma_wait3A_144 = arith.constant 0 : i32
      %dma_wait3A_145 = arith.constant 0 : i32
      %dma_wait3A_146 = tpu.memref_slice %arg14[%dma_wait3A_144, %dma_wait3A_145] : memref<10240x160xbf16, #tpu.memory_space<vmem_shared>> -> memref<10240x160xbf16, #tpu.memory_space<vmem_shared>>
      tpu.wait_indirect_dma semaphore(%run_scoped3A_134 : memref<!tpu.dma_semaphore, #tpu.memory_space<semaphore_mem>>) src(%arg10 : memref<128x160xbf16, #tpu.memory_space<vmem>>) dst(%dma_wait3A_146 : memref<10240x160xbf16, #tpu.memory_space<vmem_shared>>)
      tpu.yield
    }) : () -> ()
    %dma_wait3A_103 = arith.constant 0 : i32
    %dma_wait3A_104 = arith.constant 0 : i32
    %dma_wait3A_105 = tpu.memref_slice %arg7[%dma_wait3A_103, %dma_wait3A_104] : memref<2x128xi32, #tpu.memory_space<vmem>> -> memref<1x128xi32, #tpu.memory_space<vmem>>
    %dma_wait3A_106 = tpu.memref_squeeze %dma_wait3A_105 : memref<1x128xi32, #tpu.memory_space<vmem>> -> memref<128xi32, #tpu.memory_space<vmem>>
    %dma_wait3A_107 = arith.constant 0 : i32
    %dma_wait3A_108 = arith.constant 0 : i32
    %dma_wait3A_109 = tpu.memref_slice %arg2[%dma_wait3A_107, %dma_wait3A_108] : memref<10000x160xbf16, #tpu.memory_space<hbm>> -> memref<10000x160xbf16, #tpu.memory_space<hbm>>
    tpu.wait_indirect_dma semaphore(%arg16 : memref<!tpu.dma_semaphore, #tpu.memory_space<semaphore_mem>>) src(%dma_wait3A_109 : memref<10000x160xbf16, #tpu.memory_space<hbm>>) dst(%arg11 : memref<128x160xbf16, #tpu.memory_space<vmem>>)
    %run_scoped3A_110 = arith.constant 1 : i32
    "tpu.region"() ({
      %run_scoped3A_134 = tpu.sem_alloc : memref<!tpu.dma_semaphore, #tpu.memory_space<semaphore_mem>>
      %dma_start3A_135 = arith.constant 0 : i32
      %dma_start3A_136 = tpu.memref_slice %arg7[%run_scoped3A_110, %dma_start3A_135] : memref<2x128xi32, #tpu.memory_space<vmem>> -> memref<1x128xi32, #tpu.memory_space<vmem>>
      %dma_start3A_137 = tpu.memref_squeeze %dma_start3A_136 : memref<1x128xi32, #tpu.memory_space<vmem>> -> memref<128xi32, #tpu.memory_space<vmem>>
      %dma_start3A_138 = arith.constant 0 : i32
      %dma_start3A_139 = arith.constant 0 : i32
      %dma_start3A_140 = tpu.memref_slice %arg14[%dma_start3A_138, %dma_start3A_139] : memref<10240x160xbf16, #tpu.memory_space<vmem_shared>> -> memref<10240x160xbf16, #tpu.memory_space<vmem_shared>>
      tpu.enqueue_indirect_dma source(%arg11 : memref<128x160xbf16, #tpu.memory_space<vmem>>) target(%dma_start3A_140 : memref<10240x160xbf16, #tpu.memory_space<vmem_shared>>) offsets(%dma_start3A_137 : memref<128xi32, #tpu.memory_space<vmem>>) semaphore(%run_scoped3A_134 : memref<!tpu.dma_semaphore, #tpu.memory_space<semaphore_mem>>) {add = true}
      %dma_wait3A_141 = arith.constant 0 : i32
      %dma_wait3A_142 = tpu.memref_slice %arg7[%run_scoped3A_110, %dma_wait3A_141] : memref<2x128xi32, #tpu.memory_space<vmem>> -> memref<1x128xi32, #tpu.memory_space<vmem>>
      %dma_wait3A_143 = tpu.memref_squeeze %dma_wait3A_142 : memref<1x128xi32, #tpu.memory_space<vmem>> -> memref<128xi32, #tpu.memory_space<vmem>>
      %dma_wait3A_144 = arith.constant 0 : i32
      %dma_wait3A_145 = arith.constant 0 : i32
      %dma_wait3A_146 = tpu.memref_slice %arg14[%dma_wait3A_144, %dma_wait3A_145] : memref<10240x160xbf16, #tpu.memory_space<vmem_shared>> -> memref<10240x160xbf16, #tpu.memory_space<vmem_shared>>
      tpu.wait_indirect_dma semaphore(%run_scoped3A_134 : memref<!tpu.dma_semaphore, #tpu.memory_space<semaphore_mem>>) src(%arg11 : memref<128x160xbf16, #tpu.memory_space<vmem>>) dst(%dma_wait3A_146 : memref<10240x160xbf16, #tpu.memory_space<vmem_shared>>)
      tpu.yield
    }) : () -> ()
    %dma_wait3A_111 = arith.constant 0 : i32
    %dma_wait3A_112 = arith.constant 0 : i32
    %dma_wait3A_113 = tpu.memref_slice %arg8[%dma_wait3A_111, %dma_wait3A_112] : memref<2x128xi32, #tpu.memory_space<vmem>> -> memref<1x128xi32, #tpu.memory_space<vmem>>
    %dma_wait3A_114 = tpu.memref_squeeze %dma_wait3A_113 : memref<1x128xi32, #tpu.memory_space<vmem>> -> memref<128xi32, #tpu.memory_space<vmem>>
    %dma_wait3A_115 = arith.constant 0 : i32
    %dma_wait3A_116 = arith.constant 0 : i32
    %dma_wait3A_117 = tpu.memref_slice %arg2[%dma_wait3A_115, %dma_wait3A_116] : memref<10000x160xbf16, #tpu.memory_space<hbm>> -> memref<10000x160xbf16, #tpu.memory_space<hbm>>
    tpu.wait_indirect_dma semaphore(%arg17 : memref<!tpu.dma_semaphore, #tpu.memory_space<semaphore_mem>>) src(%dma_wait3A_117 : memref<10000x160xbf16, #tpu.memory_space<hbm>>) dst(%arg12 : memref<128x160xbf16, #tpu.memory_space<vmem>>)
    %dma_wait3A_118 = arith.constant 0 : i32
    %dma_wait3A_119 = arith.constant 0 : i32
    %dma_wait3A_120 = arith.constant 0 : i32
    %dma_wait3A_121 = tpu.memref_slice %arg3[%dma_wait3A_118, %dma_wait3A_119, %dma_wait3A_120] : memref<2500x2x128xi32, #tpu.memory_space<hbm>> -> memref<1x2x128xi32, #tpu.memory_space<hbm>>
    %dma_wait3A_122 = tpu.memref_squeeze %dma_wait3A_121 : memref<1x2x128xi32, #tpu.memory_space<hbm>> -> memref<2x128xi32, #tpu.memory_space<hbm>>
    %dma_wait3A_123 = arith.constant 0 : i32
    %dma_wait3A_124 = arith.constant 0 : i32
    %dma_wait3A_125 = tpu.memref_slice %arg3[%dma_wait3A_118, %dma_wait3A_123, %dma_wait3A_124] : memref<2500x2x128xi32, #tpu.memory_space<hbm>> -> memref<1x2x128xi32, #tpu.memory_space<hbm>>
    %dma_wait3A_126 = tpu.memref_squeeze %dma_wait3A_125 : memref<1x2x128xi32, #tpu.memory_space<hbm>> -> memref<2x128xi32, #tpu.memory_space<hbm>>
    tpu.wait_dma2 semaphore(%arg22 : memref<!tpu.dma_semaphore, #tpu.memory_space<semaphore_mem>>) src(%dma_wait3A_126 : memref<2x128xi32, #tpu.memory_space<hbm>>) dst(%arg9 : memref<2x128xi32, #tpu.memory_space<vmem>>)
    %lt3A = arith.constant 4 : i32
    %lt3A_127 = arith.cmpi slt, %add3A, %lt3A : i32
    %convert_element_type3A = arith.extui %lt3A_127 : i1 to i32
    %cond3A = arith.constant 0 : i32
    %cond3A_128 = arith.cmpi ne, %convert_element_type3A, %cond3A : i32
    scf.if %cond3A_128 {
      %add3A_134 = arith.constant 2496 : i32
      %add3A_135 = arith.addi %add3A_134, %add3A : i32
      %dma_start3A_136 = arith.constant 0 : i32
      %dma_start3A_137 = arith.constant 0 : i32
      %dma_start3A_138 = tpu.memref_slice %arg3[%add3A_135, %dma_start3A_136, %dma_start3A_137] : memref<2500x2x128xi32, #tpu.memory_space<hbm>> -> memref<1x2x128xi32, #tpu.memory_space<hbm>>
      %dma_start3A_139 = tpu.memref_squeeze %dma_start3A_138 : memref<1x2x128xi32, #tpu.memory_space<hbm>> -> memref<2x128xi32, #tpu.memory_space<hbm>>
      %dma_start3A_140 = arith.constant 0 : i32
      %dma_start3A_141 = arith.constant 0 : i32
      %dma_start3A_142 = tpu.memref_slice %arg3[%add3A_135, %dma_start3A_140, %dma_start3A_141] : memref<2500x2x128xi32, #tpu.memory_space<hbm>> -> memref<1x2x128xi32, #tpu.memory_space<hbm>>
      %dma_start3A_143 = tpu.memref_squeeze %dma_start3A_142 : memref<1x2x128xi32, #tpu.memory_space<hbm>> -> memref<2x128xi32, #tpu.memory_space<hbm>>
      tpu.enqueue_dma source(%dma_start3A_143 : memref<2x128xi32, #tpu.memory_space<hbm>>) target(%arg6 : memref<2x128xi32, #tpu.memory_space<vmem>>) target_semaphore(%arg19 : memref<!tpu.dma_semaphore, #tpu.memory_space<semaphore_mem>>)
      %dma_wait3A_144 = arith.constant 0 : i32
      %dma_wait3A_145 = arith.constant 0 : i32
      %dma_wait3A_146 = arith.constant 0 : i32
      %dma_wait3A_147 = tpu.memref_slice %arg3[%dma_wait3A_144, %dma_wait3A_145, %dma_wait3A_146] : memref<2500x2x128xi32, #tpu.memory_space<hbm>> -> memref<1x2x128xi32, #tpu.memory_space<hbm>>
      %dma_wait3A_148 = tpu.memref_squeeze %dma_wait3A_147 : memref<1x2x128xi32, #tpu.memory_space<hbm>> -> memref<2x128xi32, #tpu.memory_space<hbm>>
      %dma_wait3A_149 = arith.constant 0 : i32
      %dma_wait3A_150 = arith.constant 0 : i32
      %dma_wait3A_151 = tpu.memref_slice %arg3[%dma_wait3A_144, %dma_wait3A_149, %dma_wait3A_150] : memref<2500x2x128xi32, #tpu.memory_space<hbm>> -> memref<1x2x128xi32, #tpu.memory_space<hbm>>
      %dma_wait3A_152 = tpu.memref_squeeze %dma_wait3A_151 : memref<1x2x128xi32, #tpu.memory_space<hbm>> -> memref<2x128xi32, #tpu.memory_space<hbm>>
      tpu.wait_dma2 semaphore(%arg19 : memref<!tpu.dma_semaphore, #tpu.memory_space<semaphore_mem>>) src(%dma_wait3A_152 : memref<2x128xi32, #tpu.memory_space<hbm>>) dst(%arg6 : memref<2x128xi32, #tpu.memory_space<vmem>>)
      %dma_start3A_153 = arith.constant 0 : i32
      %dma_start3A_154 = arith.constant 0 : i32
      %dma_start3A_155 = tpu.memref_slice %arg6[%dma_start3A_153, %dma_start3A_154] : memref<2x128xi32, #tpu.memory_space<vmem>> -> memref<1x128xi32, #tpu.memory_space<vmem>>
      %dma_start3A_156 = tpu.memref_squeeze %dma_start3A_155 : memref<1x128xi32, #tpu.memory_space<vmem>> -> memref<128xi32, #tpu.memory_space<vmem>>
      %dma_start3A_157 = arith.constant 0 : i32
      %dma_start3A_158 = arith.constant 0 : i32
      %dma_start3A_159 = tpu.memref_slice %arg2[%dma_start3A_157, %dma_start3A_158] : memref<10000x160xbf16, #tpu.memory_space<hbm>> -> memref<10000x160xbf16, #tpu.memory_space<hbm>>
      tpu.enqueue_indirect_dma source(%dma_start3A_159 : memref<10000x160xbf16, #tpu.memory_space<hbm>>) target(%arg10 : memref<128x160xbf16, #tpu.memory_space<vmem>>) offsets(%dma_start3A_156 : memref<128xi32, #tpu.memory_space<vmem>>) semaphore(%arg15 : memref<!tpu.dma_semaphore, #tpu.memory_space<semaphore_mem>>)
      %dma_wait3A_160 = arith.constant 0 : i32
      %dma_wait3A_161 = arith.constant 0 : i32
      %dma_wait3A_162 = tpu.memref_slice %arg6[%dma_wait3A_160, %dma_wait3A_161] : memref<2x128xi32, #tpu.memory_space<vmem>> -> memref<1x128xi32, #tpu.memory_space<vmem>>
      %dma_wait3A_163 = tpu.memref_squeeze %dma_wait3A_162 : memref<1x128xi32, #tpu.memory_space<vmem>> -> memref<128xi32, #tpu.memory_space<vmem>>
      %dma_wait3A_164 = arith.constant 0 : i32
      %dma_wait3A_165 = arith.constant 0 : i32
      %dma_wait3A_166 = tpu.memref_slice %arg2[%dma_wait3A_164, %dma_wait3A_165] : memref<10000x160xbf16, #tpu.memory_space<hbm>> -> memref<10000x160xbf16, #tpu.memory_space<hbm>>
      tpu.wait_indirect_dma semaphore(%arg15 : memref<!tpu.dma_semaphore, #tpu.memory_space<semaphore_mem>>) src(%dma_wait3A_166 : memref<10000x160xbf16, #tpu.memory_space<hbm>>) dst(%arg10 : memref<128x160xbf16, #tpu.memory_space<vmem>>)
      %run_scoped3A_167 = arith.constant 1 : i32
      "tpu.region"() ({
        %run_scoped3A_168 = tpu.sem_alloc : memref<!tpu.dma_semaphore, #tpu.memory_space<semaphore_mem>>
        %dma_start3A_169 = arith.constant 0 : i32
        %dma_start3A_170 = tpu.memref_slice %arg6[%run_scoped3A_167, %dma_start3A_169] : memref<2x128xi32, #tpu.memory_space<vmem>> -> memref<1x128xi32, #tpu.memory_space<vmem>>
        %dma_start3A_171 = tpu.memref_squeeze %dma_start3A_170 : memref<1x128xi32, #tpu.memory_space<vmem>> -> memref<128xi32, #tpu.memory_space<vmem>>
        %dma_start3A_172 = arith.constant 0 : i32
        %dma_start3A_173 = arith.constant 0 : i32
        %dma_start3A_174 = tpu.memref_slice %arg14[%dma_start3A_172, %dma_start3A_173] : memref<10240x160xbf16, #tpu.memory_space<vmem_shared>> -> memref<10240x160xbf16, #tpu.memory_space<vmem_shared>>
        tpu.enqueue_indirect_dma source(%arg10 : memref<128x160xbf16, #tpu.memory_space<vmem>>) target(%dma_start3A_174 : memref<10240x160xbf16, #tpu.memory_space<vmem_shared>>) offsets(%dma_start3A_171 : memref<128xi32, #tpu.memory_space<vmem>>) semaphore(%run_scoped3A_168 : memref<!tpu.dma_semaphore, #tpu.memory_space<semaphore_mem>>) {add = true}
        %dma_wait3A_175 = arith.constant 0 : i32
        %dma_wait3A_176 = tpu.memref_slice %arg6[%run_scoped3A_167, %dma_wait3A_175] : memref<2x128xi32, #tpu.memory_space<vmem>> -> memref<1x128xi32, #tpu.memory_space<vmem>>
        %dma_wait3A_177 = tpu.memref_squeeze %dma_wait3A_176 : memref<1x128xi32, #tpu.memory_space<vmem>> -> memref<128xi32, #tpu.memory_space<vmem>>
        %dma_wait3A_178 = arith.constant 0 : i32
        %dma_wait3A_179 = arith.constant 0 : i32
        %dma_wait3A_180 = tpu.memref_slice %arg14[%dma_wait3A_178, %dma_wait3A_179] : memref<10240x160xbf16, #tpu.memory_space<vmem_shared>> -> memref<10240x160xbf16, #tpu.memory_space<vmem_shared>>
        tpu.wait_indirect_dma semaphore(%run_scoped3A_168 : memref<!tpu.dma_semaphore, #tpu.memory_space<semaphore_mem>>) src(%arg10 : memref<128x160xbf16, #tpu.memory_space<vmem>>) dst(%dma_wait3A_180 : memref<10240x160xbf16, #tpu.memory_space<vmem_shared>>)
        tpu.yield
      }) : () -> ()
    } else {
    }
    %barrier3A_129 = arith.constant 0 : index
    tpu.barrier barrier_id(%barrier3A_129)
    %mul3A_130 = arith.constant 640 : i32
    %mul3A_131 = arith.muli %arg1, %mul3A_130 : i32
    %mul3A_132 = arith.constant 640 : i32
    %mul3A_133 = arith.muli %arg1, %mul3A_132 : i32
    "tpu.region"() ({
      %run_scoped3A_134 = tpu.sem_alloc : memref<!tpu.dma_semaphore, #tpu.memory_space<semaphore_mem>>
      %dma_start3A_135 = arith.constant 0 : i32
      %dma_start3A_136 = tpu.memref_slice %arg5[%arg0, %mul3A_133, %dma_start3A_135] : memref<2x10240x160xbf16, #tpu.memory_space<hbm>> -> memref<1x640x160xbf16, #tpu.memory_space<hbm>>
      %dma_start3A_137 = tpu.memref_squeeze %dma_start3A_136 : memref<1x640x160xbf16, #tpu.memory_space<hbm>> -> memref<640x160xbf16, #tpu.memory_space<hbm>>
      %dma_start3A_138 = arith.constant 0 : i32
      %dma_start3A_139 = tpu.memref_slice %arg14[%mul3A_131, %dma_start3A_138] : memref<10240x160xbf16, #tpu.memory_space<vmem_shared>> -> memref<640x160xbf16, #tpu.memory_space<vmem_shared>>
      tpu.enqueue_dma source(%dma_start3A_139 : memref<640x160xbf16, #tpu.memory_space<vmem_shared>>) target(%dma_start3A_137 : memref<640x160xbf16, #tpu.memory_space<hbm>>) target_semaphore(%run_scoped3A_134 : memref<!tpu.dma_semaphore, #tpu.memory_space<semaphore_mem>>)
      %dma_wait3A_140 = arith.constant 0 : i32
      %dma_wait3A_141 = tpu.memref_slice %arg5[%arg0, %mul3A_133, %dma_wait3A_140] : memref<2x10240x160xbf16, #tpu.memory_space<hbm>> -> memref<1x640x160xbf16, #tpu.memory_space<hbm>>
      %dma_wait3A_142 = tpu.memref_squeeze %dma_wait3A_141 : memref<1x640x160xbf16, #tpu.memory_space<hbm>> -> memref<640x160xbf16, #tpu.memory_space<hbm>>
      %dma_wait3A_143 = arith.constant 0 : i32
      %dma_wait3A_144 = tpu.memref_slice %arg14[%mul3A_131, %dma_wait3A_143] : memref<10240x160xbf16, #tpu.memory_space<vmem_shared>> -> memref<640x160xbf16, #tpu.memory_space<vmem_shared>>
      tpu.wait_dma2 semaphore(%run_scoped3A_134 : memref<!tpu.dma_semaphore, #tpu.memory_space<semaphore_mem>>) src(%dma_wait3A_144 : memref<640x160xbf16, #tpu.memory_space<vmem_shared>>) dst(%dma_wait3A_142 : memref<640x160xbf16, #tpu.memory_space<hbm>>)
      tpu.yield
    }) : () -> ()
    return
  }
}

module attributes {stable_mosaic.version = 14 : i64} {
  func.func @_k1_body(%arg0: i32, %arg1: memref<1000x128xf32, #tpu.memory_space<vmem>>, %arg2: memref<1000x128xf32, #tpu.memory_space<vmem>>, %arg3: memref<256x160xf32, #tpu.memory_space<vmem>>, %arg4: memref<256x128xf32, #tpu.memory_space<vmem>>, %arg5: memref<256x128xf32, #tpu.memory_space<vmem>>, %arg6: memref<128x128xf32, #tpu.memory_space<vmem>>, %arg7: memref<1x160xf32, #tpu.memory_space<vmem>>, %arg8: memref<1x128xf32, #tpu.memory_space<vmem>>, %arg9: memref<1x128xf32, #tpu.memory_space<vmem>>, %arg10: memref<1x128xf32, #tpu.memory_space<vmem>>, %arg11: memref<1000x160xbf16, #tpu.memory_space<vmem>>, %arg12: memref<1000x128xf32, #tpu.memory_space<vmem>>, %arg13: memref<1000x128xf32, #tpu.memory_space<vmem>>) attributes {dimension_semantics = [#tpu.dimension_semantics<arbitrary>], iteration_bounds = array<i64: 10>, scalar_prefetch = 0 : i64, scratch_operands = 0 : i64, tpu.core_type = #tpu.core_type<tc>, window_params = [{transform_indices = @transform_0, window_bounds = array<i64: 1000, 128>}, {transform_indices = @transform_1, window_bounds = array<i64: 1000, 128>}, {pipeline_mode = #tpu.pipeline_mode<synchronous>, transform_indices = @transform_2, window_bounds = array<i64: 256, 160>}, {pipeline_mode = #tpu.pipeline_mode<synchronous>, transform_indices = @transform_3, window_bounds = array<i64: 256, 128>}, {pipeline_mode = #tpu.pipeline_mode<synchronous>, transform_indices = @transform_4, window_bounds = array<i64: 256, 128>}, {pipeline_mode = #tpu.pipeline_mode<synchronous>, transform_indices = @transform_5, window_bounds = array<i64: 128, 128>}, {pipeline_mode = #tpu.pipeline_mode<synchronous>, transform_indices = @transform_6, window_bounds = array<i64: 1, 160>}, {pipeline_mode = #tpu.pipeline_mode<synchronous>, transform_indices = @transform_7, window_bounds = array<i64: 1, 128>}, {pipeline_mode = #tpu.pipeline_mode<synchronous>, transform_indices = @transform_8, window_bounds = array<i64: 1, 128>}, {pipeline_mode = #tpu.pipeline_mode<synchronous>, transform_indices = @transform_9, window_bounds = array<i64: 1, 128>}, {transform_indices = @transform_10, window_bounds = array<i64: 1000, 160>}, {transform_indices = @transform_11, window_bounds = array<i64: 1000, 128>}, {transform_indices = @transform_12, window_bounds = array<i64: 1000, 128>}]} {
    %get3A = arith.constant 0 : index
    %get3A_0 = arith.constant 0 : index
    %get3A_1 = vector.load %arg1[%get3A, %get3A_0] : memref<1000x128xf32, #tpu.memory_space<vmem>>, vector<1000x128xf32>
    %get3A_2 = arith.constant 0 : index
    %get3A_3 = arith.constant 0 : index
    %get3A_4 = vector.load %arg2[%get3A_2, %get3A_3] : memref<1000x128xf32, #tpu.memory_space<vmem>>, vector<1000x128xf32>
    %concatenate3A = tpu.concatenate %get3A_1, %get3A_4 in 1 : vector<1000x128xf32>, vector<1000x128xf32> -> vector<1000x256xf32>
    %get3A_5 = arith.constant 0 : index
    %get3A_6 = arith.constant 0 : index
    %get3A_7 = vector.load %arg3[%get3A_5, %get3A_6] : memref<256x160xf32, #tpu.memory_space<vmem>>, vector<256x160xf32>
    %dot_general3A = arith.constant dense<0.000000e+00> : vector<1000x160xf32>
    %dot_general3A_8 = tpu.matmul %concatenate3A, %get3A_7, %dot_general3A {dimension_numbers = #tpu.dot_dimension_numbers<[1], [0], [0], [1], [0, 0, 1, 1], [], []>, transpose_lhs_hint = false} : vector<1000x256xf32>, vector<256x160xf32>, vector<1000x160xf32> -> vector<1000x160xf32>
    %get3A_9 = arith.constant 0 : index
    %get3A_10 = arith.constant 0 : index
    %get3A_11 = vector.load %arg7[%get3A_9, %get3A_10] : memref<1x160xf32, #tpu.memory_space<vmem>>, vector<1x160xf32>
    %add3A = vector.broadcast %get3A_11 : vector<1x160xf32> to vector<1000x160xf32>
    %add3A_12 = arith.addf %dot_general3A_8, %add3A : vector<1000x160xf32>
    %convert_element_type3A = arith.truncf %add3A_12 : vector<1000x160xf32> to vector<1000x160xbf16>
    %swap3A = arith.constant 0 : index
    %swap3A_13 = arith.constant 0 : index
    %swap3A_14 = vector.load %arg11[%swap3A, %swap3A_13] : memref<1000x160xbf16, #tpu.memory_space<vmem>>, vector<1000x160xbf16>
    tpu.vector_store %arg11[%swap3A, %swap3A_13], %convert_element_type3A {strides = array<i32>} : memref<1000x160xbf16, #tpu.memory_space<vmem>>, vector<1000x160xbf16>,
    %get3A_15 = arith.constant 0 : index
    %get3A_16 = arith.constant 0 : index
    %get3A_17 = vector.load %arg4[%get3A_15, %get3A_16] : memref<256x128xf32, #tpu.memory_space<vmem>>, vector<256x128xf32>
    %dot_general3A_18 = arith.constant dense<0.000000e+00> : vector<1000x128xf32>
    %dot_general3A_19 = tpu.matmul %concatenate3A, %get3A_17, %dot_general3A_18 {dimension_numbers = #tpu.dot_dimension_numbers<[1], [0], [0], [1], [0, 0, 1, 1], [], []>, transpose_lhs_hint = false} : vector<1000x256xf32>, vector<256x128xf32>, vector<1000x128xf32> -> vector<1000x128xf32>
    %get3A_20 = arith.constant 0 : index
    %get3A_21 = arith.constant 0 : index
    %get3A_22 = vector.load %arg8[%get3A_20, %get3A_21] : memref<1x128xf32, #tpu.memory_space<vmem>>, vector<1x128xf32>
    %add3A_23 = vector.broadcast %get3A_22 : vector<1x128xf32> to vector<1000x128xf32>
    %add3A_24 = arith.addf %dot_general3A_19, %add3A_23 : vector<1000x128xf32>
    %swap3A_25 = arith.constant 0 : index
    %swap3A_26 = arith.constant 0 : index
    %swap3A_27 = vector.load %arg12[%swap3A_25, %swap3A_26] : memref<1000x128xf32, #tpu.memory_space<vmem>>, vector<1000x128xf32>
    tpu.vector_store %arg12[%swap3A_25, %swap3A_26], %add3A_24 {strides = array<i32>} : memref<1000x128xf32, #tpu.memory_space<vmem>>, vector<1000x128xf32>,
    %get3A_28 = arith.constant 0 : index
    %get3A_29 = arith.constant 0 : index
    %get3A_30 = vector.load %arg5[%get3A_28, %get3A_29] : memref<256x128xf32, #tpu.memory_space<vmem>>, vector<256x128xf32>
    %dot_general3A_31 = arith.constant dense<0.000000e+00> : vector<1000x128xf32>
    %dot_general3A_32 = tpu.matmul %concatenate3A, %get3A_30, %dot_general3A_31 {dimension_numbers = #tpu.dot_dimension_numbers<[1], [0], [0], [1], [0, 0, 1, 1], [], []>, transpose_lhs_hint = false} : vector<1000x256xf32>, vector<256x128xf32>, vector<1000x128xf32> -> vector<1000x128xf32>
    %get3A_33 = arith.constant 0 : index
    %get3A_34 = arith.constant 0 : index
    %get3A_35 = vector.load %arg9[%get3A_33, %get3A_34] : memref<1x128xf32, #tpu.memory_space<vmem>>, vector<1x128xf32>
    %add3A_36 = vector.broadcast %get3A_35 : vector<1x128xf32> to vector<1000x128xf32>
    %add3A_37 = arith.addf %dot_general3A_32, %add3A_36 : vector<1000x128xf32>
    %max3A = arith.constant 0.000000e+00 : f32
    %max3A_38 = vector.broadcast %max3A : f32 to vector<1000x128xf32>
    %max3A_39 = arith.maximumf %add3A_37, %max3A_38 : vector<1000x128xf32>
    %get3A_40 = arith.constant 0 : index
    %get3A_41 = arith.constant 0 : index
    %get3A_42 = vector.load %arg6[%get3A_40, %get3A_41] : memref<128x128xf32, #tpu.memory_space<vmem>>, vector<128x128xf32>
    %dot_general3A_43 = arith.constant dense<0.000000e+00> : vector<1000x128xf32>
    %dot_general3A_44 = tpu.matmul %max3A_39, %get3A_42, %dot_general3A_43 {dimension_numbers = #tpu.dot_dimension_numbers<[1], [0], [0], [1], [0, 0, 1, 1], [], []>, transpose_lhs_hint = false} : vector<1000x128xf32>, vector<128x128xf32>, vector<1000x128xf32> -> vector<1000x128xf32>
    %get3A_45 = arith.constant 0 : index
    %get3A_46 = arith.constant 0 : index
    %get3A_47 = vector.load %arg10[%get3A_45, %get3A_46] : memref<1x128xf32, #tpu.memory_space<vmem>>, vector<1x128xf32>
    %add3A_48 = vector.broadcast %get3A_47 : vector<1x128xf32> to vector<1000x128xf32>
    %add3A_49 = arith.addf %dot_general3A_44, %add3A_48 : vector<1000x128xf32>
    %max3A_50 = arith.constant 0.000000e+00 : f32
    %max3A_51 = vector.broadcast %max3A_50 : f32 to vector<1000x128xf32>
    %max3A_52 = arith.maximumf %add3A_49, %max3A_51 : vector<1000x128xf32>
    %swap3A_53 = arith.constant 0 : index
    %swap3A_54 = arith.constant 0 : index
    %swap3A_55 = vector.load %arg13[%swap3A_53, %swap3A_54] : memref<1000x128xf32, #tpu.memory_space<vmem>>, vector<1000x128xf32>
    tpu.vector_store %arg13[%swap3A_53, %swap3A_54], %max3A_52 {strides = array<i32>} : memref<1000x128xf32, #tpu.memory_space<vmem>>, vector<1000x128xf32>,
    return
  }
  func.func @transform_0(%arg0: i32) -> (i32, i32) {
    %c0_i32 = arith.constant 0 : i32
    %c0_i32_0 = arith.constant 0 : i32
    return %arg0, %c0_i32 : i32, i32
  }
  func.func @transform_1(%arg0: i32) -> (i32, i32) {
    %c0_i32 = arith.constant 0 : i32
    %c0_i32_0 = arith.constant 0 : i32
    return %arg0, %c0_i32 : i32, i32
  }
  func.func @transform_2(%arg0: i32) -> (i32, i32) {
    %c0_i32 = arith.constant 0 : i32
    %c0_i32_0 = arith.constant 0 : i32
    %c0_i32_1 = arith.constant 0 : i32
    return %c0_i32, %c0_i32_0 : i32, i32
  }
  func.func @transform_3(%arg0: i32) -> (i32, i32) {
    %c0_i32 = arith.constant 0 : i32
    %c0_i32_0 = arith.constant 0 : i32
    %c0_i32_1 = arith.constant 0 : i32
    return %c0_i32, %c0_i32_0 : i32, i32
  }
  func.func @transform_4(%arg0: i32) -> (i32, i32) {
    %c0_i32 = arith.constant 0 : i32
    %c0_i32_0 = arith.constant 0 : i32
    %c0_i32_1 = arith.constant 0 : i32
    return %c0_i32, %c0_i32_0 : i32, i32
  }
  func.func @transform_5(%arg0: i32) -> (i32, i32) {
    %c0_i32 = arith.constant 0 : i32
    %c0_i32_0 = arith.constant 0 : i32
    %c0_i32_1 = arith.constant 0 : i32
    return %c0_i32, %c0_i32_0 : i32, i32
  }
  func.func @transform_6(%arg0: i32) -> (i32, i32) {
    %c0_i32 = arith.constant 0 : i32
    %c0_i32_0 = arith.constant 0 : i32
    %c0_i32_1 = arith.constant 0 : i32
    return %c0_i32, %c0_i32_0 : i32, i32
  }
  func.func @transform_7(%arg0: i32) -> (i32, i32) {
    %c0_i32 = arith.constant 0 : i32
    %c0_i32_0 = arith.constant 0 : i32
    %c0_i32_1 = arith.constant 0 : i32
    return %c0_i32, %c0_i32_0 : i32, i32
  }
  func.func @transform_8(%arg0: i32) -> (i32, i32) {
    %c0_i32 = arith.constant 0 : i32
    %c0_i32_0 = arith.constant 0 : i32
    %c0_i32_1 = arith.constant 0 : i32
    return %c0_i32, %c0_i32_0 : i32, i32
  }
  func.func @transform_9(%arg0: i32) -> (i32, i32) {
    %c0_i32 = arith.constant 0 : i32
    %c0_i32_0 = arith.constant 0 : i32
    %c0_i32_1 = arith.constant 0 : i32
    return %c0_i32, %c0_i32_0 : i32, i32
  }
  func.func @transform_10(%arg0: i32) -> (i32, i32) {
    %c0_i32 = arith.constant 0 : i32
    %c0_i32_0 = arith.constant 0 : i32
    return %arg0, %c0_i32 : i32, i32
  }
  func.func @transform_11(%arg0: i32) -> (i32, i32) {
    %c0_i32 = arith.constant 0 : i32
    %c0_i32_0 = arith.constant 0 : i32
    return %arg0, %c0_i32 : i32, i32
  }
  func.func @transform_12(%arg0: i32) -> (i32, i32) {
    %c0_i32 = arith.constant 0 : i32
    %c0_i32_0 = arith.constant 0 : i32
    return %arg0, %c0_i32 : i32, i32
  }
}

module attributes {stable_mosaic.version = 14 : i64} {
  func.func @_k34_body(%arg0: i32, %arg1: memref<1x1000x160xbf16, #tpu.memory_space<vmem>>, %arg2: memref<1x1000x160xbf16, #tpu.memory_space<vmem>>, %arg3: memref<1000x128xf32, #tpu.memory_space<vmem>>, %arg4: memref<1000x128xf32, #tpu.memory_space<vmem>>, %arg5: memref<1x1x1000xi32, #tpu.memory_space<vmem>>, %arg6: memref<1x128xf32, #tpu.memory_space<vmem>>, %arg7: memref<1x128xf32, #tpu.memory_space<vmem>>, %arg8: memref<128x1xf32, #tpu.memory_space<vmem>>, %arg9: memref<1x1xf32, #tpu.memory_space<vmem>>, %arg10: memref<64x1xf32, #tpu.memory_space<vmem>>, %arg11: memref<10000x128xf32, #tpu.memory_space<vmem>>, %arg12: memref<1x128xf32, #tpu.memory_space<vmem>>, %arg13: memref<1x128xf32, #tpu.memory_space<vmem>>, %arg14: memref<64x128xf32, #tpu.memory_space<vmem>>, %arg15: memref<64x1xf32, #tpu.memory_space<vmem>>) attributes {dimension_semantics = [#tpu.dimension_semantics<arbitrary>], iteration_bounds = array<i64: 20>, scalar_prefetch = 0 : i64, scratch_operands = 5 : i64, tpu.core_type = #tpu.core_type<tc>, window_params = [{transform_indices = @transform_0, window_bounds = array<i64: 1, 1000, 160>}, {transform_indices = @transform_1, window_bounds = array<i64: 1, 1000, 160>}, {transform_indices = @transform_2, window_bounds = array<i64: 1000, 128>}, {transform_indices = @transform_3, window_bounds = array<i64: 1000, 128>}, {transform_indices = @transform_4, window_bounds = array<i64: 1, 1, 1000>}, {pipeline_mode = #tpu.pipeline_mode<synchronous>, transform_indices = @transform_5, window_bounds = array<i64: 1, 128>}, {pipeline_mode = #tpu.pipeline_mode<synchronous>, transform_indices = @transform_6, window_bounds = array<i64: 1, 128>}, {pipeline_mode = #tpu.pipeline_mode<synchronous>, transform_indices = @transform_7, window_bounds = array<i64: 128, 1>}, {pipeline_mode = #tpu.pipeline_mode<synchronous>, transform_indices = @transform_8, window_bounds = array<i64: 1, 1>}, {pipeline_mode = #tpu.pipeline_mode<synchronous>, transform_indices = @transform_9, window_bounds = array<i64: 64, 1>}]} {
    %eq3A = arith.constant 0 : i32
    %eq3A_0 = arith.cmpi eq, %arg0, %eq3A : i32
    %convert_element_type3A = arith.extui %eq3A_0 : i1 to i32
    %cond3A = arith.constant 0 : i32
    %cond3A_1 = arith.cmpi ne, %convert_element_type3A, %cond3A : i32
    scf.if %cond3A_1 {
      %broadcast_in_dim3A = arith.constant 0.000000e+00 : f32
      %broadcast_in_dim3A_15 = vector.broadcast %broadcast_in_dim3A : f32 to vector<1x128xf32>
      %swap3A = arith.constant 0 : index
      %swap3A_16 = arith.constant 0 : index
      %swap3A_17 = vector.load %arg12[%swap3A, %swap3A_16] : memref<1x128xf32, #tpu.memory_space<vmem>>, vector<1x128xf32>
      tpu.vector_store %arg12[%swap3A, %swap3A_16], %broadcast_in_dim3A_15 {strides = array<i32>} : memref<1x128xf32, #tpu.memory_space<vmem>>, vector<1x128xf32>,
      %broadcast_in_dim3A_18 = arith.constant 0.000000e+00 : f32
      %broadcast_in_dim3A_19 = vector.broadcast %broadcast_in_dim3A_18 : f32 to vector<1x128xf32>
      %swap3A_20 = arith.constant 0 : index
      %swap3A_21 = arith.constant 0 : index
      %swap3A_22 = vector.load %arg13[%swap3A_20, %swap3A_21] : memref<1x128xf32, #tpu.memory_space<vmem>>, vector<1x128xf32>
      tpu.vector_store %arg13[%swap3A_20, %swap3A_21], %broadcast_in_dim3A_19 {strides = array<i32>} : memref<1x128xf32, #tpu.memory_space<vmem>>, vector<1x128xf32>,
      %broadcast_in_dim3A_23 = arith.constant 0.000000e+00 : f32
      %broadcast_in_dim3A_24 = vector.broadcast %broadcast_in_dim3A_23 : f32 to vector<64x128xf32>
      %swap3A_25 = arith.constant 0 : index
      %swap3A_26 = arith.constant 0 : index
      %swap3A_27 = vector.load %arg14[%swap3A_25, %swap3A_26] : memref<64x128xf32, #tpu.memory_space<vmem>>, vector<64x128xf32>
      tpu.vector_store %arg14[%swap3A_25, %swap3A_26], %broadcast_in_dim3A_24 {strides = array<i32>} : memref<64x128xf32, #tpu.memory_space<vmem>>, vector<64x128xf32>,
      %broadcast_in_dim3A_28 = arith.constant 0.000000e+00 : f32
      %broadcast_in_dim3A_29 = vector.broadcast %broadcast_in_dim3A_28 : f32 to vector<64x1xf32>
      %swap3A_30 = arith.constant 0 : index
      %swap3A_31 = arith.constant 0 : index
      %swap3A_32 = vector.load %arg15[%swap3A_30, %swap3A_31] : memref<64x1xf32, #tpu.memory_space<vmem>>, vector<64x1xf32>
      tpu.vector_store %arg15[%swap3A_30, %swap3A_31], %broadcast_in_dim3A_29 {strides = array<i32>} : memref<64x1xf32, #tpu.memory_space<vmem>>, vector<64x1xf32>,
    } else {
    }
    %lt3A = arith.constant 10 : i32
    %lt3A_2 = arith.cmpi slt, %arg0, %lt3A : i32
    %convert_element_type3A_3 = arith.extui %lt3A_2 : i1 to i32
    %cond3A_4 = arith.constant 0 : i32
    %cond3A_5 = arith.cmpi ne, %convert_element_type3A_3, %cond3A_4 : i32
    scf.if %cond3A_5 {
      %get3A = arith.constant 0 : index
      %get3A_15 = arith.constant 0 : index
      %get3A_16 = arith.constant 0 : index
      %get3A_17 = vector.load %arg1[%get3A, %get3A_15, %get3A_16] : memref<1x1000x160xbf16, #tpu.memory_space<vmem>>, vector<1x1000x160xbf16>
      %get3A_18 = vector.shape_cast %get3A_17 : vector<1x1000x160xbf16> to vector<1000x160xbf16>
      %convert_element_type3A_19 = arith.extf %get3A_18 : vector<1000x160xbf16> to vector<1000x160xf32>
      %get3A_20 = arith.constant 0 : index
      %get3A_21 = arith.constant 0 : index
      %get3A_22 = arith.constant 0 : index
      %get3A_23 = vector.load %arg2[%get3A_20, %get3A_21, %get3A_22] : memref<1x1000x160xbf16, #tpu.memory_space<vmem>>, vector<1x1000x160xbf16>
      %get3A_24 = vector.shape_cast %get3A_23 : vector<1x1000x160xbf16> to vector<1000x160xbf16>
      %convert_element_type3A_25 = arith.extf %get3A_24 : vector<1000x160xbf16> to vector<1000x160xf32>
      %add3A = arith.addf %convert_element_type3A_19, %convert_element_type3A_25 : vector<1000x160xf32>
      %slice3A = vector.extract_strided_slice %add3A {offsets = [0, 128], sizes = [1000, 1], strides = [1, 1]} : vector<1000x160xf32> to vector<1000x1xf32>
      %max3A = arith.constant 1.000000e+00 : f32
      %max3A_26 = vector.broadcast %max3A : f32 to vector<1000x1xf32>
      %max3A_27 = arith.maximumf %slice3A, %max3A_26 : vector<1000x1xf32>
      %slice3A_28 = vector.extract_strided_slice %add3A {offsets = [0, 0], sizes = [1000, 128], strides = [1, 1]} : vector<1000x160xf32> to vector<1000x128xf32>
      %div3A = vector.broadcast %max3A_27 : vector<1000x1xf32> to vector<1000x128xf32>
      %div3A_29 = arith.divf %slice3A_28, %div3A : vector<1000x128xf32>
      %get3A_30 = arith.constant 0 : index
      %get3A_31 = arith.constant 0 : index
      %get3A_32 = vector.load %arg3[%get3A_30, %get3A_31] : memref<1000x128xf32, #tpu.memory_space<vmem>>, vector<1000x128xf32>
      %add3A_33 = arith.addf %div3A_29, %get3A_32 : vector<1000x128xf32>
      %mul3A = arith.constant 1000 : i32
      %mul3A_34 = arith.muli %arg0, %mul3A : i32
      %swap3A = arith.index_cast %mul3A_34 : i32 to index
      %swap3A_35 = arith.constant 0 : index
      %swap3A_36 = vector.load %arg11[%swap3A, %swap3A_35] : memref<10000x128xf32, #tpu.memory_space<vmem>>, vector<1000x128xf32>
      tpu.vector_store %arg11[%swap3A, %swap3A_35], %add3A_33 {strides = array<i32>} : memref<10000x128xf32, #tpu.memory_space<vmem>>, vector<1000x128xf32>,
      %get3A_37 = arith.constant 0 : index
      %get3A_38 = arith.constant 0 : index
      %get3A_39 = vector.load %arg12[%get3A_37, %get3A_38] : memref<1x128xf32, #tpu.memory_space<vmem>>, vector<1x128xf32>
      %reduce_sum3A = arith.constant dense<0.000000e+00> : vector<128xf32>
      %reduce_sum3A_40 = vector.multi_reduction <add>, %add3A_33, %reduce_sum3A [0] : vector<1000x128xf32> to vector<128xf32>
      %broadcast_in_dim3A = vector.shape_cast %reduce_sum3A_40 : vector<128xf32> to vector<1x128xf32>
      %add3A_41 = arith.addf %get3A_39, %broadcast_in_dim3A : vector<1x128xf32>
      %swap3A_42 = arith.constant 0 : index
      %swap3A_43 = arith.constant 0 : index
      %swap3A_44 = vector.load %arg12[%swap3A_42, %swap3A_43] : memref<1x128xf32, #tpu.memory_space<vmem>>, vector<1x128xf32>
      tpu.vector_store %arg12[%swap3A_42, %swap3A_43], %add3A_41 {strides = array<i32>} : memref<1x128xf32, #tpu.memory_space<vmem>>, vector<1x128xf32>,
      %get3A_45 = arith.constant 0 : index
      %get3A_46 = arith.constant 0 : index
      %get3A_47 = vector.load %arg13[%get3A_45, %get3A_46] : memref<1x128xf32, #tpu.memory_space<vmem>>, vector<1x128xf32>
      %mul3A_48 = arith.mulf %add3A_33, %add3A_33 : vector<1000x128xf32>
      %reduce_sum3A_49 = arith.constant dense<0.000000e+00> : vector<128xf32>
      %reduce_sum3A_50 = vector.multi_reduction <add>, %mul3A_48, %reduce_sum3A_49 [0] : vector<1000x128xf32> to vector<128xf32>
      %broadcast_in_dim3A_51 = vector.shape_cast %reduce_sum3A_50 : vector<128xf32> to vector<1x128xf32>
      %add3A_52 = arith.addf %get3A_47, %broadcast_in_dim3A_51 : vector<1x128xf32>
      %swap3A_53 = arith.constant 0 : index
      %swap3A_54 = arith.constant 0 : index
      %swap3A_55 = vector.load %arg13[%swap3A_53, %swap3A_54] : memref<1x128xf32, #tpu.memory_space<vmem>>, vector<1x128xf32>
      tpu.vector_store %arg13[%swap3A_53, %swap3A_54], %add3A_52 {strides = array<i32>} : memref<1x128xf32, #tpu.memory_space<vmem>>, vector<1x128xf32>,
    } else {
    }
    %ge3A = arith.constant 10 : i32
    %ge3A_6 = arith.cmpi sge, %arg0, %ge3A : i32
    %convert_element_type3A_7 = arith.extui %ge3A_6 : i1 to i32
    %cond3A_8 = arith.constant 0 : i32
    %cond3A_9 = arith.cmpi ne, %convert_element_type3A_7, %cond3A_8 : i32
    scf.if %cond3A_9 {
      %sub3A = arith.constant 10 : i32
      %sub3A_15 = arith.subi %arg0, %sub3A : i32
      %get3A = arith.constant 0 : index
      %get3A_16 = arith.constant 0 : index
      %get3A_17 = vector.load %arg12[%get3A, %get3A_16] : memref<1x128xf32, #tpu.memory_space<vmem>>, vector<1x128xf32>
      %div3A = arith.constant 1.000000e+04 : f32
      %div3A_18 = vector.broadcast %div3A : f32 to vector<1x128xf32>
      %div3A_19 = arith.divf %get3A_17, %div3A_18 : vector<1x128xf32>
      %get3A_20 = arith.constant 0 : index
      %get3A_21 = arith.constant 0 : index
      %get3A_22 = vector.load %arg13[%get3A_20, %get3A_21] : memref<1x128xf32, #tpu.memory_space<vmem>>, vector<1x128xf32>
      %div3A_23 = arith.constant 1.000000e+04 : f32
      %div3A_24 = vector.broadcast %div3A_23 : f32 to vector<1x128xf32>
      %div3A_25 = arith.divf %get3A_22, %div3A_24 : vector<1x128xf32>
      %mul3A = arith.mulf %div3A_19, %div3A_19 : vector<1x128xf32>
      %sub3A_26 = arith.subf %div3A_25, %mul3A : vector<1x128xf32>
      %add3A = arith.constant 9.99999974E-6 : f32
      %add3A_27 = vector.broadcast %add3A : f32 to vector<1x128xf32>
      %add3A_28 = arith.addf %sub3A_26, %add3A_27 : vector<1x128xf32>
      %rsqrt3A = math.rsqrt %add3A_28 : vector<1x128xf32>
      %mul3A_29 = arith.constant 1000 : i32
      %mul3A_30 = arith.muli %sub3A_15, %mul3A_29 : i32
      %get3A_31 = arith.index_cast %mul3A_30 : i32 to index
      %get3A_32 = arith.constant 0 : index
      %get3A_33 = vector.load %arg11[%get3A_31, %get3A_32] : memref<10000x128xf32, #tpu.memory_space<vmem>>, vector<1000x128xf32>
      %sub3A_34 = vector.broadcast %div3A_19 : vector<1x128xf32> to vector<1000x128xf32>
      %sub3A_35 = arith.subf %get3A_33, %sub3A_34 : vector<1000x128xf32>
      %mul3A_36 = vector.broadcast %rsqrt3A : vector<1x128xf32> to vector<1000x128xf32>
      %mul3A_37 = arith.mulf %sub3A_35, %mul3A_36 : vector<1000x128xf32>
      %get3A_38 = arith.constant 0 : index
      %get3A_39 = arith.constant 0 : index
      %get3A_40 = vector.load %arg6[%get3A_38, %get3A_39] : memref<1x128xf32, #tpu.memory_space<vmem>>, vector<1x128xf32>
      %mul3A_41 = vector.broadcast %get3A_40 : vector<1x128xf32> to vector<1000x128xf32>
      %mul3A_42 = arith.mulf %mul3A_37, %mul3A_41 : vector<1000x128xf32>
      %get3A_43 = arith.constant 0 : index
      %get3A_44 = arith.constant 0 : index
      %get3A_45 = vector.load %arg7[%get3A_43, %get3A_44] : memref<1x128xf32, #tpu.memory_space<vmem>>, vector<1x128xf32>
      %add3A_46 = vector.broadcast %get3A_45 : vector<1x128xf32> to vector<1000x128xf32>
      %add3A_47 = arith.addf %mul3A_42, %add3A_46 : vector<1000x128xf32>
      %max3A = arith.constant 0.000000e+00 : f32
      %max3A_48 = vector.broadcast %max3A : f32 to vector<1000x128xf32>
      %max3A_49 = arith.maximumf %add3A_47, %max3A_48 : vector<1000x128xf32>
      %get3A_50 = arith.constant 0 : index
      %get3A_51 = arith.constant 0 : index
      %get3A_52 = vector.load %arg4[%get3A_50, %get3A_51] : memref<1000x128xf32, #tpu.memory_space<vmem>>, vector<1000x128xf32>
      %add3A_53 = arith.addf %max3A_49, %get3A_52 : vector<1000x128xf32>
      %get3A_54 = arith.constant 0 : index
      %get3A_55 = arith.constant 0 : index
      %get3A_56 = arith.constant 0 : index
      %get3A_57 = vector.load %arg5[%get3A_54, %get3A_55, %get3A_56] : memref<1x1x1000xi32, #tpu.memory_space<vmem>>, vector<1x1x1000xi32>
      %get3A_58 = vector.shape_cast %get3A_57 : vector<1x1x1000xi32> to vector<1x1000xi32>
      %iota3A = tpu.iota {dimensions = array<i32: 0>} : vector<64x1xi32>
      %eq3A_59 = vector.broadcast %iota3A : vector<64x1xi32> to vector<64x1000xi32>
      %eq3A_60 = vector.broadcast %get3A_58 : vector<1x1000xi32> to vector<64x1000xi32>
      %eq3A_61 = arith.cmpi eq, %eq3A_59, %eq3A_60 : vector<64x1000xi32>
      %convert_element_type3A_62 = arith.extui %eq3A_61 : vector<64x1000xi1> to vector<64x1000xi32>
      %convert_element_type3A_63 = arith.sitofp %convert_element_type3A_62 : vector<64x1000xi32> to vector<64x1000xf32>
      %get3A_64 = arith.constant 0 : index
      %get3A_65 = arith.constant 0 : index
      %get3A_66 = vector.load %arg14[%get3A_64, %get3A_65] : memref<64x128xf32, #tpu.memory_space<vmem>>, vector<64x128xf32>
      %dot_general3A = arith.constant dense<0.000000e+00> : vector<64x128xf32>
      %dot_general3A_67 = tpu.matmul %convert_element_type3A_63, %add3A_53, %dot_general3A {dimension_numbers = #tpu.dot_dimension_numbers<[1], [0], [0], [1], [0, 0, 1, 1], [], []>, transpose_lhs_hint = false} : vector<64x1000xf32>, vector<1000x128xf32>, vector<64x128xf32> -> vector<64x128xf32>
      %add3A_68 = arith.addf %get3A_66, %dot_general3A_67 : vector<64x128xf32>
      %swap3A = arith.constant 0 : index
      %swap3A_69 = arith.constant 0 : index
      %swap3A_70 = vector.load %arg14[%swap3A, %swap3A_69] : memref<64x128xf32, #tpu.memory_space<vmem>>, vector<64x128xf32>
      tpu.vector_store %arg14[%swap3A, %swap3A_69], %add3A_68 {strides = array<i32>} : memref<64x128xf32, #tpu.memory_space<vmem>>, vector<64x128xf32>,
      %get3A_71 = arith.constant 0 : index
      %get3A_72 = arith.constant 0 : index
      %get3A_73 = vector.load %arg15[%get3A_71, %get3A_72] : memref<64x1xf32, #tpu.memory_space<vmem>>, vector<64x1xf32>
      %reduce_sum3A = arith.constant dense<0.000000e+00> : vector<64xf32>
      %reduce_sum3A_74 = vector.multi_reduction <add>, %convert_element_type3A_63, %reduce_sum3A [1] : vector<64x1000xf32> to vector<64xf32>
      %broadcast_in_dim3A = vector.shape_cast %reduce_sum3A_74 : vector<64xf32> to vector<64x1xf32>
      %add3A_75 = arith.addf %get3A_73, %broadcast_in_dim3A : vector<64x1xf32>
      %swap3A_76 = arith.constant 0 : index
      %swap3A_77 = arith.constant 0 : index
      %swap3A_78 = vector.load %arg15[%swap3A_76, %swap3A_77] : memref<64x1xf32, #tpu.memory_space<vmem>>, vector<64x1xf32>
      tpu.vector_store %arg15[%swap3A_76, %swap3A_77], %add3A_75 {strides = array<i32>} : memref<64x1xf32, #tpu.memory_space<vmem>>, vector<64x1xf32>,
    } else {
    }
    %eq3A_10 = arith.constant 19 : i32
    %eq3A_11 = arith.cmpi eq, %arg0, %eq3A_10 : i32
    %convert_element_type3A_12 = arith.extui %eq3A_11 : i1 to i32
    %cond3A_13 = arith.constant 0 : i32
    %cond3A_14 = arith.cmpi ne, %convert_element_type3A_12, %cond3A_13 : i32
    scf.if %cond3A_14 {
      %get3A = arith.constant 0 : index
      %get3A_15 = arith.constant 0 : index
      %get3A_16 = vector.load %arg14[%get3A, %get3A_15] : memref<64x128xf32, #tpu.memory_space<vmem>>, vector<64x128xf32>
      %get3A_17 = arith.constant 0 : index
      %get3A_18 = arith.constant 0 : index
      %get3A_19 = vector.load %arg15[%get3A_17, %get3A_18] : memref<64x1xf32, #tpu.memory_space<vmem>>, vector<64x1xf32>
      %max3A = arith.constant 1.000000e+00 : f32
      %max3A_20 = vector.broadcast %max3A : f32 to vector<64x1xf32>
      %max3A_21 = arith.maximumf %get3A_19, %max3A_20 : vector<64x1xf32>
      %div3A = vector.broadcast %max3A_21 : vector<64x1xf32> to vector<64x128xf32>
      %div3A_22 = arith.divf %get3A_16, %div3A : vector<64x128xf32>
      %get3A_23 = arith.constant 0 : index
      %get3A_24 = arith.constant 0 : index
      %get3A_25 = vector.load %arg8[%get3A_23, %get3A_24] : memref<128x1xf32, #tpu.memory_space<vmem>>, vector<128x1xf32>
      %dot_general3A = arith.constant dense<0.000000e+00> : vector<64x1xf32>
      %dot_general3A_26 = tpu.matmul %div3A_22, %get3A_25, %dot_general3A {dimension_numbers = #tpu.dot_dimension_numbers<[1], [0], [0], [1], [0, 0, 1, 1], [], []>, transpose_lhs_hint = false} : vector<64x128xf32>, vector<128x1xf32>, vector<64x1xf32> -> vector<64x1xf32>
      %get3A_27 = arith.constant 0 : index
      %get3A_28 = arith.constant 0 : index
      %get3A_29 = vector.load %arg9[%get3A_27, %get3A_28] : memref<1x1xf32, #tpu.memory_space<vmem>>, vector<1x1xf32>
      %add3A = vector.broadcast %get3A_29 : vector<1x1xf32> to vector<64x1xf32>
      %add3A_30 = arith.addf %dot_general3A_26, %add3A : vector<64x1xf32>
      %logistic3A = arith.negf %add3A_30 : vector<64x1xf32>
      %logistic3A_31 = math.exp %logistic3A : vector<64x1xf32>
      %logistic3A_32 = arith.constant 1.000000e+00 : f32
      %logistic3A_33 = vector.broadcast %logistic3A_32 : f32 to vector<64x1xf32>
      %logistic3A_34 = arith.addf %logistic3A_33, %logistic3A_31 : vector<64x1xf32>
      %logistic3A_35 = arith.divf %logistic3A_33, %logistic3A_34 : vector<64x1xf32>
      %swap3A = arith.constant 0 : index
      %swap3A_36 = arith.constant 0 : index
      %swap3A_37 = vector.load %arg10[%swap3A, %swap3A_36] : memref<64x1xf32, #tpu.memory_space<vmem>>, vector<64x1xf32>
      tpu.vector_store %arg10[%swap3A, %swap3A_36], %logistic3A_35 {strides = array<i32>} : memref<64x1xf32, #tpu.memory_space<vmem>>, vector<64x1xf32>,
    } else {
    }
    return
  }
  func.func @transform_0(%arg0: i32) -> (i32, i32, i32) {
    %min3A = arith.constant 9 : i32
    %min3A_0 = arith.minsi %arg0, %min3A : i32
    %c0_i32 = arith.constant 0 : i32
    %c0_i32_1 = arith.constant 0 : i32
    %c0_i32_2 = arith.constant 0 : i32
    return %c0_i32, %min3A_0, %c0_i32_1 : i32, i32, i32
  }
  func.func @transform_1(%arg0: i32) -> (i32, i32, i32) {
    %min3A = arith.constant 9 : i32
    %min3A_0 = arith.minsi %arg0, %min3A : i32
    %c1_i32 = arith.constant 1 : i32
    %c0_i32 = arith.constant 0 : i32
    %c0_i32_1 = arith.constant 0 : i32
    return %c1_i32, %min3A_0, %c0_i32 : i32, i32, i32
  }
  func.func @transform_2(%arg0: i32) -> (i32, i32) {
    %min3A = arith.constant 9 : i32
    %min3A_0 = arith.minsi %arg0, %min3A : i32
    %c0_i32 = arith.constant 0 : i32
    %c0_i32_1 = arith.constant 0 : i32
    return %min3A_0, %c0_i32 : i32, i32
  }
  func.func @transform_3(%arg0: i32) -> (i32, i32) {
    %sub3A = arith.constant 10 : i32
    %sub3A_0 = arith.subi %arg0, %sub3A : i32
    %max3A = arith.constant 0 : i32
    %max3A_1 = arith.maxsi %sub3A_0, %max3A : i32
    %c0_i32 = arith.constant 0 : i32
    %c0_i32_2 = arith.constant 0 : i32
    return %max3A_1, %c0_i32 : i32, i32
  }
  func.func @transform_4(%arg0: i32) -> (i32, i32, i32) {
    %sub3A = arith.constant 10 : i32
    %sub3A_0 = arith.subi %arg0, %sub3A : i32
    %max3A = arith.constant 0 : i32
    %max3A_1 = arith.maxsi %sub3A_0, %max3A : i32
    %c0_i32 = arith.constant 0 : i32
    %c0_i32_2 = arith.constant 0 : i32
    %c0_i32_3 = arith.constant 0 : i32
    return %max3A_1, %c0_i32, %c0_i32_2 : i32, i32, i32
  }
  func.func @transform_5(%arg0: i32) -> (i32, i32) {
    %c0_i32 = arith.constant 0 : i32
    %c0_i32_0 = arith.constant 0 : i32
    %c0_i32_1 = arith.constant 0 : i32
    return %c0_i32, %c0_i32_0 : i32, i32
  }
  func.func @transform_6(%arg0: i32) -> (i32, i32) {
    %c0_i32 = arith.constant 0 : i32
    %c0_i32_0 = arith.constant 0 : i32
    %c0_i32_1 = arith.constant 0 : i32
    return %c0_i32, %c0_i32_0 : i32, i32
  }
  func.func @transform_7(%arg0: i32) -> (i32, i32) {
    %c0_i32 = arith.constant 0 : i32
    %c0_i32_0 = arith.constant 0 : i32
    %c0_i32_1 = arith.constant 0 : i32
    return %c0_i32, %c0_i32_0 : i32, i32
  }
  func.func @transform_8(%arg0: i32) -> (i32, i32) {
    %c0_i32 = arith.constant 0 : i32
    %c0_i32_0 = arith.constant 0 : i32
    %c0_i32_1 = arith.constant 0 : i32
    return %c0_i32, %c0_i32_0 : i32, i32
  }
  func.func @transform_9(%arg0: i32) -> (i32, i32) {
    %c0_i32 = arith.constant 0 : i32
    %c0_i32_0 = arith.constant 0 : i32
    %c0_i32_1 = arith.constant 0 : i32
    return %c0_i32, %c0_i32_0 : i32, i32
  }
}

</mosaic_0001>

<sc_bundles>
// kernel: kernel.5.cloned.1.call-start
scs
__scs_entry_jumppad:
0x0: {  	(pc) =	sbr.rel $0x88, $3  }
0x1: {  	(tag) =	ssettag $0x0;
	lr =	simm.s32 $0x1  }
0x2: {  	[smem:$0x3F92] =	sst lr;
	_ =	strace $0xD0000000  }
0x3: {  	_ = 	snop  }
0x4: {  	_ = 	snop  }
0x5: {  	_ = 	snop  }
0x6: {  	_ = 	snop  }
0x7: {  	_ = 	snop  }
__scs_overlays_trampoline_lowered:
0x8: {  	[smem:$0x3FA1] =	sst s0  }
0x9: {  	[smem:$0x3FA2] =	sst s1  }
0xa: {  	[smem:$0x3FA3] =	sst s2  }
0xb: {  	[smem:$0x3FA4] =	sst s3  }
0xc: {  	[smem:$0x3FA5] =	sst s4  }
0xd: {  	[smem:$0x3FA6] =	sst s5  }
0xe: {  	[smem:$0x3FA7] =	sst s6  }
0xf: {  	[smem:$0x3FA8] =	sst s7  }
0x10: {  	[smem:$0x3FA9] =	sst s8  }
0x11: {  	[smem:$0x3FAA] =	sst s9;
	s0 =	simm.s32 @!p0 $0x0  }
0x12: {  	s1 =	sld [smem:$0x3F90];
	s0 =	simm.s32 @p0 $0x1  }
0x13: {  	[smem:$0x3FAB] =	sst s0;
	s0 =	simm.s32 @!p1 $0x0  }
0x14: {  	s2 =	sld [smem:$0x3F8F];
	s0 =	simm.s32 @p1 $0x1  }
0x15: {  	[smem:$0x3FAC] =	sst s0;
	s0 =	simm.s32 @!p2 $0x0  }
0x16: {  	s3 =	sld [smem:$0x3FDB];
	s0 =	simm.s32 @p2 $0x1  }
0x17: {  	s4 =	simm.s32 $0x1BF5;
	[smem:$0x3FAE] =	sst s0  }
0x18: {  	s0 =	sld [smem:$0x3F91];
	_ =	swait.ge [sflag:s4], $0x0  }
0x19: {  	s7 =	sld [smem:$0x3F92]  }
0x1a: {  	s8 =	sadd.s32 $0xFFFFE003, lr  }
0x1b: {  	s9 =	sadd.s32 $0xFFFFFEF7, lr;
	s5 =	simm.s32 $0xFFFFFFFF;
	p2 =	slt.u32 s8, $0xFFFFF086  }
0x1c: {  	p1 =	slt.u32 s9, $0xF7A;
	s5 =	simm.s32 @!p2 $0x0  }
0x1d: {  	s5 =	simm.s32 @p1 $0x1;
	p0 =	seq.s32 s7, s2  }
0x1e: {  	s7 =	smul.u32 @!p0 $0xF7A, s2;
	p2 =	seq.s32 @!p0 s5, $0x0  }
0x1f: {  	s9 =	smul.u32 $0xF7A, s1;
	s8 =	simm.s32 @!p0 $0x1BF5;
	p2 =	por !p2, p0  }
0x20: {  	[sflag:s8] =	ssyncset.s32 @!p0 $0xFFFFF086;
	s6 =	sadd.s32 @!p0 s3, s7;
	s7 =	simm.s32 @!p0 $0x108  }
0x21: {  	s3 =	sadd.s32 s3, s9;
	s6 =	sadd.s32 @!p0 $0x88, s6;
	s7 =	simm.s32 @p2 $0x1082  }
0x22: {  	[simem:s7], [sflag:s8] =	dma.local @!p0 [hbm:s6], $0xF7A  }
0x23: {  	s9 =	sor.u32 $0xD0000000, s2;
	s6 =	simm.s32 $0x108;
	_ =	swait.ge @!p0 [sflag:s8], $0x0  }
0x24: {  	s3 =	sadd.s32 $0x88, s3;
	s6 =	simm.s32 @!p1 $0x1082;
	[sflag:s4] =	ssyncset.s32 $0xFFFFF086  }
0x25: {  	[simem:s6], [sflag:s4] =	dma.local [hbm:s3], $0xF7A  }
0x26: {  	[smem:$0x3F92] =	sst s1;
	(tag) =	ssettag s2;
	_ =	strace s9  }
0x27: {  	s1 =	sld [smem:$0x3FA2]  }
0x28: {  	s2 =	sld [smem:$0x3FA3]  }
0x29: {  	s4 =	sld [smem:$0x3FA5]  }
0x2a: {  	p0 =	seq.s32 s5, $0x0;
	s5 =	sld [smem:$0x3FA6]  }
0x2b: {  	s6 =	sld [smem:$0x3FA7]  }
0x2c: {  	s7 =	sld [smem:$0x3FA8]  }
0x2d: {  	s3 =	simm.s32 $0x108;
	s8 =	sld [smem:$0x3FA9]  }
0x2e: {  	s3 =	simm.s32 @!p0 $0x1082;
	s9 =	sld [smem:$0x3FAA]  }
0x2f: {  	lr =	sadd.s32 s0, s3;
	s0 =	sld [smem:$0x3FA1]  }
0x30: {  	s3 =	sld [smem:$0x3FA4]  }
0x31: {  	[smem:$0x3FAD] =	sst s10  }
0x32: {  	s10 =	sld [smem:$0x3FAB];
	_ =	sdelay $0x3  }
0x33: {  	p0 =	seq.s32 s10, $0x1;
	s10 =	sld [smem:$0x3FAD];
	_ =	sdelay $0x3  }
0x34: {  	[smem:$0x3FAD] =	sst s10  }
0x35: {  	s10 =	sld [smem:$0x3FAC];
	_ =	sdelay $0x3  }
0x36: {  	p1 =	seq.s32 s10, $0x1;
	s10 =	sld [smem:$0x3FAD];
	_ =	sdelay $0x3  }
0x37: {  	[smem:$0x3FAD] =	sst s10  }
0x38: {  	s10 =	sld [smem:$0x3FAE]  }
0x39: {  	_ = 	snop;
	(pc) =	sbr.ind lr, $3  }
0x3a: {  	_ = 	snop  }
0x3b: {  	_ = 	snop  }
0x3c: {  	p2 =	seq.s32 s10, $0x1;
	s10 =	sld [smem:$0x3FAD]  }
0x3d: {  	_ =	shalt  }
0x3e: {  	_ =	shalt  }
0x3f: {  	_ =	shalt  }
0x40: {  	_ =	shalt  }
0x41: {  	_ =	shalt  }
0x42: {  	_ =	shalt  }
0x43: {  	_ =	shalt  }
0x44: {  	_ =	shalt  }
0x45: {  	_ =	shalt  }
0x46: {  	_ =	shalt  }
0x47: {  	_ =	shalt  }
0x48: {  	_ =	shalt  }
0x49: {  	_ =	shalt  }
0x4a: {  	_ =	shalt  }
0x4b: {  	_ =	shalt  }
0x4c: {  	_ =	shalt  }
0x4d: {  	_ =	shalt  }
0x4e: {  	_ =	shalt  }
0x4f: {  	_ =	shalt  }
0x50: {  	_ =	shalt  }
0x51: {  	_ =	shalt  }
0x52: {  	_ =	shalt  }
0x53: {  	_ =	shalt  }
0x54: {  	_ =	shalt  }
0x55: {  	_ =	shalt  }
0x56: {  	_ =	shalt  }
0x57: {  	_ =	shalt  }
0x58: {  	_ =	shalt  }
0x59: {  	_ =	shalt  }
0x5a: {  	_ =	shalt  }
0x5b: {  	_ =	shalt  }
0x5c: {  	_ =	shalt  }
0x5d: {  	_ =	shalt  }
0x5e: {  	_ =	shalt  }
0x5f: {  	_ =	shalt  }
0x60: {  	_ =	shalt  }
0x61: {  	_ =	shalt  }
0x62: {  	_ =	shalt  }
0x63: {  	_ =	shalt  }
0x64: {  	_ =	shalt  }
0x65: {  	_ =	shalt  }
0x66: {  	_ =	shalt  }
0x67: {  	_ =	shalt  }
0x68: {  	_ =	shalt  }
0x69: {  	_ =	shalt  }
0x6a: {  	_ =	shalt  }
0x6b: {  	_ =	shalt  }
0x6c: {  	_ =	shalt  }
0x6d: {  	_ =	shalt  }
0x6e: {  	_ =	shalt  }
0x6f: {  	_ =	shalt  }
0x70: {  	_ =	shalt  }
0x71: {  	_ =	shalt  }
0x72: {  	_ =	shalt  }
0x73: {  	_ =	shalt  }
0x74: {  	_ =	shalt  }
0x75: {  	_ =	shalt  }
0x76: {  	_ =	shalt  }
0x77: {  	_ =	shalt  }
0x78: {  	_ =	shalt  }
0x79: {  	_ =	shalt  }
0x7a: {  	_ =	shalt  }
0x7b: {  	_ =	shalt  }
0x7c: {  	_ =	shalt  }
0x7d: {  	_ =	shalt  }
0x7e: {  	_ =	shalt  }
0x7f: {  	_ =	shalt  }
0x80: {  	_ =	shalt  }
0x81: {  	_ =	shalt  }
0x82: {  	_ =	shalt  }
0x83: {  	_ =	shalt  }
0x84: {  	_ =	shalt  }
0x85: {  	_ =	shalt  }
0x86: {  	_ =	shalt  }
0x87: {  	_ =	shalt  }
.Lfunc_end0:
.L_simem_size_0:
called_computation_lowered:
.L_overlay_start_0:
0x88: {  	s2 =	sld [smem:$0x3FD9]  }
0x89: {  	s3 =	sld [smem:$0x3FFE];
	_ =	sdelay $0x1  }
0x8a: {  	s1 =	srdreg.scid  }
0x8b: {  	s0 =	sand.u32 $0x1, s1  }
0x8c: {  	s17 =	sshll.u32 s0, $0xA;
	s2 =	sadd.s32 s3, s2  }
0x8d: {  	s2 =	sadd.s32 s2, s17  }
0x8e: {  	[smem:$0x3FB9] =	sst s2  }
0x8f: {  	_ = 	snop  }
0x90: {  	s2 =	sld [smem:$0x3FBC];
	(tm) =	ssettm $0x1  }
0x91: {  	s18 =	sld [smem:$0x3FFB];
	_ =	sdelay $0x3  }
0x92: {  	_ =	strace s18  }
0x93: {  	s3 =	sld [smem:$0x3FFC];
	_ =	sdelay $0x3  }
0x94: {  	_ =	strace s3  }
0x95: {  	s3 =	sld [smem:$0x3FFD];
	_ =	sdelay $0x3  }
0x96: {  	_ =	strace s3  }
0x97: {  	_ =	strace $0x8FFFFFFF  }
0x98: {  	s19 =	sld [smem:$0x3FDB];
	_ =	sdelay $0x1  }
0x99: {  	s4 =	simm.s32 $_scs_section_size  }
0x9a: {  	s5 =	simm.s32 $_size__tile_overlayer_lowered;
	s6 =	simm.s32 $_tile_overlayer_lowered  }
0x9b: {  	s22 =	simm.s32 $0x1BFF;
	s21 =	sshll.u32 s6, $0x1;
	s3 =	sadd.s32 s4, s19  }
0x9c: {  	s7 =	simm.s32 $0x0;
	s20 =	sshll.u32 s5, $0x1;
	s5 =	sadd.s32 s21, s3  }
0x9d: {  	[timem:s7], [sflag:s22] =	dma.local [hbm:s5], s20  }
0x9e: {  	_ =	swait.ge [sflag:s22], s20  }
0x9f: {  	s4 =	ssub.s32 $0x0, s20;
	[sflag:s22] =	ssyncset.done $0x0  }
0xa0: {  	[sflag:s22] =	ssyncadd.s32 s4;
	_ =	sdelay $0x1  }
0xa1: {  	s23 =	simm.s32 $0x1B8B  }
0xa2: {  	_ =	swait.ge [sflag:s23], $0x1  }
0xa3: {  	[sflag:s23] =	ssyncset.done $0x0  }
0xa4: {  	s25 =	simm.s32 $0x1B8E;
	s24 =	sld [smem:$0x3FFE];
	[sflag:s23] =	ssyncadd.s32 $0xFFFFFFFF  }
0xa5: {  	s26 =	simm.s32 $execute0_lowered;
	[smem:$0x3FD2] =	sst s25  }
0xa6: {  	s5 =	sshll.u32 s26, $0x1;
	_ =	strace $0x80000046;
	[dreg:$0x1] =	wrdreg $0xFFFFFFFF  }
0xa7: {  	s28 =	simm.s32 $_size_execute0_lowered;
	s3 =	sadd.s32 s3, s5;
	[dreg:$0x0] =	wrdreg $0x0  }
0xa8: {  	s5 =	sshll.u32 s28, $0x1;
	[dreg:$0x2] =	wrdreg s3  }
0xa9: {  	[dreg:$0x3] =	wrdreg s5  }
0xaa: {  	[dreg:$0x4] =	wrdreg $0xC0  }
0xab: {  	_ =	task [dreg:s7], $0x5FFFF  }
0xac: {  	[dreg:$0x1] =	wrdreg $0xFFFFFFFF  }
0xad: {  	[dreg:$0x0] =	wrdreg $0x60  }
0xae: {  	[dreg:$0x2] =	wrdreg s24  }
0xaf: {  	[dreg:$0x3] =	wrdreg s2  }
0xb0: {  	[dreg:$0x4] =	wrdreg $0xA4000  }
0xb1: {  	[dreg:$0x5] =	wrdreg $0x9  }
0xb2: {  	_ =	task.clear_ibuf [dreg:s7], $0x6FFFF;
	_ =	strace $0x90000046  }
0xb3: {  	s29 =	simm.s32 $0x9;
	_ =	strace $0x80000048  }
0xb4: {  	_ =	swait.ge [sflag:s29], $0x1  }
0xb5: {  	[sflag:s29] =	ssyncadd.s32 $0xFFFFFFFF  }
0xb6: {  	_ =	strace $0x90000048  }
0xb7: {  	_ =	sfence  }
0xb8: {  	s30 =	sld [smem:$0x0];
	_ =	sdelay $0x2  }
0xb9: {  	s31 =	sshll.u32 s1, $0xD;
	s1 =	sshrl.u32 s1, $0x2  }
0xba: {  	s3 =	sand.u32 $0x4000, s31;
	s1 =	sadd.s32 s1, s30  }
0xbb: {  	s0 =	sor.u32 s3, s0;
	s1 =	sshll.u32 s1, $0x11  }
0xbc: {  	s0 =	sor.u32 s1, s0  }
0xbd: {  	s0 =	sadd.s32 $0x8F2B, s0  }
0xbe: {  	[sflag:s0] =	ssyncadd.remote.s32 $0x1  }
0xbf: {  	_ =	sfence.sel $0xFFFF  }
0xc0: {  	[dreg:$0x0] =	wrdreg $0xFFFFFFFF;
	(pc) =	sbr.abs _section_cstart, $3  }
0xc1: {  	[dreg:$0x1] =	wrdreg $0xFFFFFFFF  }
0xc2: {  	_ =	task.clear_ibuf [dreg:s7], $0x2FFFF;
	_ =	strace $0x9FFFFFFF  }
0xc3: {  	(tm) =	ssettm $0x7FFFFFFF  }
tec
execute0_lowered:
.L_overlay_start_1:
0x0: {  	(tag) =	ssettag $0x1  }
0x1: {  	s0 =	rddreg [dreg:$0x0]  }
0x2: {  	s1 =	rddreg [dreg:$0x1]  }
0x3: {  	s2 =	rddreg [dreg:$0x2]  }
0x4: {  	s4 =	srdreg.scid;
	s12 =	stileid.u32;
	s3 =	simm.s32 $0x0  }
0x5: {  	s16 =	simm.s32 $0x9;
	s17 =	simm.s32 $0x100;
	s28 =	simm.s32 $0x8  }
0x6: {  	s29 =	simm.s32 $0x7C00;
	s30 =	simm.s32 $0x1;
	s31 =	simm.s32 $0x2  }
0x7: {  	s5 =	sand.u32 $0x1, s4;
	s6 =	smul.u32 $0x19000, s12;
	[smem:$0x7FF] =	sst s3  }
0x8: {  	s4 =	sadd.s32 $0x1800, s0;
	s8 =	sshll.u32 s12, $0x1;
	s25 =	smul.u32 $0x1380, s12  }
0x9: {  	s9 =	sadd.s32 $0x1A000, s0;
	s21 =	sshll.u32 s12, $0x6;
	s7 =	smul.u32 $0x190000, s5  }
0xa: {  	s8 =	sor.u32 s5, s8;
	s18 =	ssub.s32 $0x2, s5;
	s5 =	smul.u32 $0x9C0, s5  }
0xb: {  	p0 =	sgt.u32 s12, $0x1;
	_ =	strace $0x80000047;
	s19 =	smul.u32 $0x9C0, s8  }
0xc: {  	[dreg:$0x4] =	wrdreg s9;
	s10 =	sshrl.u32 s18, $0x1;
	s11 =	smul.u32 $0x4E00, s8  }
0xd: {  	s8 =	sshll.u32 s8, $0x5;
	s26 =	sadd.s32 s25, s1;
	s25 =	simm.s32 $0x7  }
0xe: {  	s7 =	sadd.s32 s6, s7;
	s6 =	sshrl.u32 s6, $0x1;
	s8 =	sadd.s32 s8, s1  }
0xf: {  	s14 =	sadd.s32 s5, s26;
	s26 =	simm.s32 $0x5400;
	s5 =	simm.s32 $0x280  }
0x10: {  	s7 =	sshrl.u32 s7, $0x4;
	s20 =	sadd.s32 s6, s2;
	s6 =	sor.u32 $0x1C09, s21  }
0x11: {  	s13 =	sadd.s32 s1, s19;
	s22 =	sshrl.u32 s11, $0x3;
	s8 =	sadd.s32 $0x13800, s8  }
0x12: {  	s19 =	simm.s32 $0x300;
	s21 =	simm.s32 $0x80;
	s0 =	sadd.s32 s7, s0  }
0x13: {  	s7 =	ssub.s32 s18, s10;
	[dreg:$0x5] =	wrdreg s13;
	s23 =	sadd.s32 $0x20, s13  }
0x14: {  	s9 =	sadd.s32 s1, s22;
	[dreg:$0x9] =	wrdreg s8;
	s15 =	sshrl.u32 s20, $0x3  }
0x15: {  	s18 =	simm.s32 $0x200;
	s20 =	simm.s32 $0x5;
	s22 =	simm.s32 $0x400  }
0x16: {  	s1 =	simm.s32 $0x3;
	[dreg:$0x6] =	wrdreg s23;
	s24 =	sadd.s32 $0x40, s9  }
0x17: {  	s8 =	simm.s32 $0x4;
	s9 =	sadd.s32 $0x60, s9;
	[dreg:$0x7] =	wrdreg s24  }
0x18: {  	s10 =	simm.s32 $0x0;
	s0 =	sadd.s32 $0x1BA00, s0;
	[dreg:$0x8] =	wrdreg s9  }
0x19: {  	s13 =	smax.u32 s7, $0x1;
	s23 =	simm.s32 $0x6;
	[dreg:$0xa] =	wrdreg s0  }
0x1a: {  	s24 =	simm.s32 $0x2C00;
	s0 =	simm.s32 $0x180;
	s9 =	simm.s32 $0x380  }
.LBB2_1:
0x1b: {  	s7 =	rddreg [dreg:$0x4]  }
0x1c: {  	[spmem:s15], [sflag:s6] =	dma.local [hbm:s7], $0x1900  }
0x1d: {  	_ =	swait.ge [sflag:s16], $0x1900  }
0x1e: {  	[sflag:s16] =	ssyncset.done $0x0  }
0x1f: {  	[sflag:s16] =	ssyncadd.s32 $0xFFFFE700  }
0x20: {  	[bflag:$0x0] =	sbarrier.arrive $0xFFFF  }
0x21: {  	s12 =	rddreg [dreg:$0x5]  }
0x22: {  	[tilespmem:s3], [sflag:$0x5] =	stream.linear.gather [hbm4b:s12+s3], $0x100, $0x38;
	[tilespmem:$0x16C00] =	vst v63  }
0x23: {  	s11 =	rddreg [dreg:$0x6]  }
0x24: {  	[tilespmem:s17], [sflag:$0x6] =	stream.linear.gather [hbm4b:s11+s3], $0x100, $0x38;
	[tilespmem:$0x16C00] =	vst v63  }
0x25: {  	s12 =	rddreg [dreg:$0x7]  }
0x26: {  	[tilespmem:s18], [sflag:$0x7] =	stream.linear.gather [hbm4b:s12+s3], $0x100, $0x38;
	[tilespmem:$0x16C00] =	vst v63  }
0x27: {  	s11 =	rddreg [dreg:$0x8]  }
0x28: {  	[tilespmem:s19], [sflag:$0x8] =	stream.linear.gather [hbm4b:s11+s3], $0x100, $0x38;
	[tilespmem:$0x16C00] =	vst v63  }
0x29: {  	_ =	swait.ge [sflag:s20], $0x100  }
0x2a: {  	[sflag:s20] =	ssyncset.done $0x0  }
0x2b: {  	[sflag:s20] =	ssyncadd.s32 $0xFFFFFF00  }
0x2c: {  	[tilespmem:s22], [sflag:$0x1] =	stream.indirect.gather [hbm4b:s4+s21], $0x50, s3, s21, $0xb8;
	[tilespmem:$0x16C00] =	vst v63  }
0x2d: {  	_ =	swait.ge [sflag:s23], $0x100  }
0x2e: {  	[sflag:s23] =	ssyncset.done $0x0  }
0x2f: {  	[sflag:s23] =	ssyncadd.s32 $0xFFFFFF00  }
0x30: {  	[tilespmem:s24], [sflag:$0x2] =	stream.indirect.gather [hbm4b:s4+s21], $0x50, s17, s21, $0xb8;
	[tilespmem:$0x16C00] =	vst v63  }
0x31: {  	_ =	swait.ge [sflag:s25], $0x100  }
0x32: {  	[sflag:s25] =	ssyncset.done $0x0  }
0x33: {  	[sflag:s25] =	ssyncadd.s32 $0xFFFFFF00  }
0x34: {  	[tilespmem:s26], [sflag:$0x3] =	stream.indirect.gather [hbm4b:s4+s21], $0x50, s18, s21, $0xb8;
	[tilespmem:$0x16C00] =	vst v63  }
0x35: {  	_ =	swait.ge [sflag:s28], $0x100  }
0x36: {  	[sflag:s28] =	ssyncset.done $0x0  }
0x37: {  	[sflag:s28] =	ssyncadd.s32 $0xFFFFFF00  }
0x38: {  	[tilespmem:s29], [sflag:$0x4] =	stream.indirect.gather [hbm4b:s4+s21], $0x50, s19, s21, $0xb8;
	[tilespmem:$0x16C00] =	vst v63  }
0x39: {  	_ =	swait.ge [sflag:s30], $0x2800  }
0x3a: {  	[sflag:s30] =	ssyncset.done $0x0  }
0x3b: {  	[sflag:s30] =	ssyncadd.s32 $0xFFFFD800  }
0x3c: {  	[spmem:s2] =	stream.indirect.scatter.add.bf16 [tilespmem:s22], [sflag:$0x9], $0x50, s21, s21, $0xb8;
	[tilespmem:$0x16C00] =	vst v63  }
0x3d: {  	_ =	swait.ge [sflag:s16], $0x2800  }
0x3e: {  	s7 =	sadd.s32 $0x0, s14;
	[sflag:s16] =	ssyncset.done $0x0  }
0x3f: {  	s11 =	sadd.s32 $0x80, s7;
	[sflag:s16] =	ssyncadd.s32 $0xFFFFD800  }
0x40: {  	[tilespmem:s3], [sflag:$0x5] =	stream.linear.gather [hbm4b:s11+s3], $0x100, $0x38;
	[tilespmem:$0x16C00] =	vst v63  }
0x41: {  	_ =	swait.ge [sflag:s31], $0x2800  }
0x42: {  	[sflag:s31] =	ssyncset.done $0x0  }
0x43: {  	[sflag:s31] =	ssyncadd.s32 $0xFFFFD800  }
0x44: {  	[spmem:s2] =	stream.indirect.scatter.add.bf16 [tilespmem:s24], [sflag:$0x9], $0x50, s0, s21, $0xb8;
	[tilespmem:$0x16C00] =	vst v63  }
0x45: {  	_ =	swait.ge [sflag:s16], $0x2800  }
0x46: {  	[sflag:s16] =	ssyncset.done $0x0  }
0x47: {  	s12 =	sadd.s32 $0xA0, s7;
	[sflag:s16] =	ssyncadd.s32 $0xFFFFD800  }
0x48: {  	[tilespmem:s17], [sflag:$0x6] =	stream.linear.gather [hbm4b:s12+s3], $0x100, $0x38;
	[tilespmem:$0x16C00] =	vst v63  }
0x49: {  	_ =	swait.ge [sflag:s1], $0x2800  }
0x4a: {  	[sflag:s1] =	ssyncset.done $0x0  }
0x4b: {  	[sflag:s1] =	ssyncadd.s32 $0xFFFFD800  }
0x4c: {  	[spmem:s2] =	stream.indirect.scatter.add.bf16 [tilespmem:s26], [sflag:$0x9], $0x50, s5, s21, $0xb8;
	[tilespmem:$0x16C00] =	vst v63  }
0x4d: {  	_ =	swait.ge [sflag:s16], $0x2800  }
0x4e: {  	[sflag:s16] =	ssyncset.done $0x0  }
0x4f: {  	s12 =	sadd.s32 $0xC0, s7;
	[sflag:s16] =	ssyncadd.s32 $0xFFFFD800  }
0x50: {  	[tilespmem:s18], [sflag:$0x7] =	stream.linear.gather [hbm4b:s12+s3], $0x100, $0x38;
	[tilespmem:$0x16C00] =	vst v63  }
0x51: {  	_ =	swait.ge [sflag:s20], $0x100  }
0x52: {  	[sflag:s20] =	ssyncset.done $0x0  }
0x53: {  	[sflag:s20] =	ssyncadd.s32 $0xFFFFFF00  }
0x54: {  	[tilespmem:s22], [sflag:$0x1] =	stream.indirect.gather [hbm4b:s4+s21], $0x50, s3, s21, $0xb8;
	[tilespmem:$0x16C00] =	vst v63  }
0x55: {  	_ =	swait.ge [sflag:s23], $0x100  }
0x56: {  	[sflag:s23] =	ssyncset.done $0x0  }
0x57: {  	[sflag:s23] =	ssyncadd.s32 $0xFFFFFF00  }
0x58: {  	[tilespmem:s24], [sflag:$0x2] =	stream.indirect.gather [hbm4b:s4+s21], $0x50, s17, s21, $0xb8;
	[tilespmem:$0x16C00] =	vst v63  }
0x59: {  	_ =	swait.ge [sflag:s8], $0x2800  }
0x5a: {  	[sflag:s8] =	ssyncset.done $0x0  }
0x5b: {  	[sflag:s8] =	ssyncadd.s32 $0xFFFFD800  }
0x5c: {  	[spmem:s2] =	stream.indirect.scatter.add.bf16 [tilespmem:s29], [sflag:$0x9], $0x50, s9, s21, $0xb8;
	[tilespmem:$0x16C00] =	vst v63  }
0x5d: {  	_ =	swait.ge [sflag:s16], $0x2800  }
0x5e: {  	[sflag:s16] =	ssyncset.done $0x0  }
0x5f: {  	s7 =	sadd.s32 $0xE0, s7;
	[sflag:s16] =	ssyncadd.s32 $0xFFFFD800  }
0x60: {  	[tilespmem:s19], [sflag:$0x8] =	stream.linear.gather [hbm4b:s7+s3], $0x100, $0x38;
	[tilespmem:$0x16C00] =	vst v63  }
0x61: {  	_ =	swait.ge [sflag:s25], $0x100  }
0x62: {  	[sflag:s25] =	ssyncset.done $0x0  }
0x63: {  	s7 =	simm.s32 $0x80;
	[sflag:s25] =	ssyncadd.s32 $0xFFFFFF00  }
.LBB2_2:
0x64: {  	[tilespmem:s26], [sflag:$0x3] =	stream.indirect.gather [hbm4b:s4+s21], $0x50, s18, s21, $0xb8;
	[tilespmem:$0x16C00] =	vst v63  }
0x65: {  	s11 =	smov.u32 s7  }
0x66: {  	p1 =	sne.s32 s7, $0x900;
	s7 =	sadd.s32 $0x80, s7;
	_ =	swait.ge [sflag:s28], $0x100  }
0x67: {  	[sflag:s28] =	ssyncset.done $0x0  }
0x68: {  	[sflag:s28] =	ssyncadd.s32 $0xFFFFFF00  }
0x69: {  	[tilespmem:s29], [sflag:$0x4] =	stream.indirect.gather [hbm4b:s4+s21], $0x50, s19, s21, $0xb8;
	[tilespmem:$0x16C00] =	vst v63  }
0x6a: {  	_ =	swait.ge [sflag:s30], $0x2800  }
0x6b: {  	[sflag:s30] =	ssyncset.done $0x0  }
0x6c: {  	[sflag:s30] =	ssyncadd.s32 $0xFFFFD800  }
0x6d: {  	[spmem:s2] =	stream.indirect.scatter.add.bf16 [tilespmem:s22], [sflag:$0x9], $0x50, s21, s21, $0xb8;
	[tilespmem:$0x16C00] =	vst v63  }
0x6e: {  	_ =	swait.ge [sflag:s16], $0x2800  }
0x6f: {  	s11 =	sadd.s32 s11, s14;
	[sflag:s16] =	ssyncset.done $0x0  }
0x70: {  	s12 =	sadd.s32 $0x80, s11;
	[sflag:s16] =	ssyncadd.s32 $0xFFFFD800  }
0x71: {  	[tilespmem:s3], [sflag:$0x5] =	stream.linear.gather [hbm4b:s12+s3], $0x100, $0x38;
	[tilespmem:$0x16C00] =	vst v63  }
0x72: {  	_ =	swait.ge [sflag:s31], $0x2800  }
0x73: {  	[sflag:s31] =	ssyncset.done $0x0  }
0x74: {  	[sflag:s31] =	ssyncadd.s32 $0xFFFFD800  }
0x75: {  	[spmem:s2] =	stream.indirect.scatter.add.bf16 [tilespmem:s24], [sflag:$0x9], $0x50, s0, s21, $0xb8;
	[tilespmem:$0x16C00] =	vst v63  }
0x76: {  	_ =	swait.ge [sflag:s16], $0x2800  }
0x77: {  	[sflag:s16] =	ssyncset.done $0x0  }
0x78: {  	s12 =	sadd.s32 $0xA0, s11;
	[sflag:s16] =	ssyncadd.s32 $0xFFFFD800  }
0x79: {  	[tilespmem:s17], [sflag:$0x6] =	stream.linear.gather [hbm4b:s12+s3], $0x100, $0x38;
	[tilespmem:$0x16C00] =	vst v63  }
0x7a: {  	_ =	swait.ge [sflag:s1], $0x2800  }
0x7b: {  	[sflag:s1] =	ssyncset.done $0x0  }
0x7c: {  	[sflag:s1] =	ssyncadd.s32 $0xFFFFD800  }
0x7d: {  	[spmem:s2] =	stream.indirect.scatter.add.bf16 [tilespmem:s26], [sflag:$0x9], $0x50, s5, s21, $0xb8;
	[tilespmem:$0x16C00] =	vst v63  }
0x7e: {  	_ =	swait.ge [sflag:s16], $0x2800  }
0x7f: {  	[sflag:s16] =	ssyncset.done $0x0  }
0x80: {  	s12 =	sadd.s32 $0xC0, s11;
	[sflag:s16] =	ssyncadd.s32 $0xFFFFD800  }
0x81: {  	[tilespmem:s18], [sflag:$0x7] =	stream.linear.gather [hbm4b:s12+s3], $0x100, $0x38;
	[tilespmem:$0x16C00] =	vst v63  }
0x82: {  	_ =	swait.ge [sflag:s20], $0x100  }
0x83: {  	[sflag:s20] =	ssyncset.done $0x0  }
0x84: {  	[sflag:s20] =	ssyncadd.s32 $0xFFFFFF00  }
0x85: {  	[tilespmem:s22], [sflag:$0x1] =	stream.indirect.gather [hbm4b:s4+s21], $0x50, s3, s21, $0xb8;
	[tilespmem:$0x16C00] =	vst v63  }
0x86: {  	_ =	swait.ge [sflag:s23], $0x100  }
0x87: {  	[sflag:s23] =	ssyncset.done $0x0  }
0x88: {  	[sflag:s23] =	ssyncadd.s32 $0xFFFFFF00  }
0x89: {  	[tilespmem:s24], [sflag:$0x2] =	stream.indirect.gather [hbm4b:s4+s21], $0x50, s17, s21, $0xb8;
	[tilespmem:$0x16C00] =	vst v63  }
0x8a: {  	_ =	swait.ge [sflag:s8], $0x2800  }
0x8b: {  	[sflag:s8] =	ssyncset.done $0x0  }
0x8c: {  	[sflag:s8] =	ssyncadd.s32 $0xFFFFD800  }
0x8d: {  	[spmem:s2] =	stream.indirect.scatter.add.bf16 [tilespmem:s29], [sflag:$0x9], $0x50, s9, s21, $0xb8;
	[tilespmem:$0x16C00] =	vst v63  }
0x8e: {  	_ =	swait.ge [sflag:s16], $0x2800  }
0x8f: {  	[sflag:s16] =	ssyncset.done $0x0  }
.Ltmp0:
0x90: {  	s11 =	sadd.s32 $0xE0, s11;
	[sflag:s16] =	ssyncadd.s32 $0xFFFFD800;
	(pc) =	sbr.rel @p1 .LBB2_2-.Ltmp0, $4  }
0x91: {  	[tilespmem:s19], [sflag:$0x8] =	stream.linear.gather [hbm4b:s11+s3], $0x100, $0x38;
	[tilespmem:$0x16C00] =	vst v63  }
0x92: {  	_ =	swait.ge [sflag:s25], $0x100  }
0x93: {  	[sflag:s25] =	ssyncset.done $0x0  }
0x94: {  	[sflag:s25] =	ssyncadd.s32 $0xFFFFFF00  }
0x95: {  	[tilespmem:s26], [sflag:$0x3] =	stream.indirect.gather [hbm4b:s4+s21], $0x50, s18, s21, $0xb8;
	[tilespmem:$0x16C00] =	vst v63  }
0x96: {  	_ =	swait.ge [sflag:s30], $0x2800  }
0x97: {  	[sflag:s30] =	ssyncset.done $0x0  }
0x98: {  	[sflag:s30] =	ssyncadd.s32 $0xFFFFD800  }
0x99: {  	[spmem:s2] =	stream.indirect.scatter.add.bf16 [tilespmem:s22], [sflag:$0x9], $0x50, s21, s21, $0xb8;
	[tilespmem:$0x16C00] =	vst v63  }
0x9a: {  	_ =	swait.ge [sflag:s16], $0x2800  }
0x9b: {  	[sflag:s16] =	ssyncset.done $0x0  }
0x9c: {  	[sflag:s16] =	ssyncadd.s32 $0xFFFFD800  }
0x9d: {  	_ =	swait.ge [sflag:s31], $0x2800  }
0x9e: {  	[sflag:s31] =	ssyncset.done $0x0  }
0x9f: {  	[sflag:s31] =	ssyncadd.s32 $0xFFFFD800  }
0xa0: {  	[spmem:s2] =	stream.indirect.scatter.add.bf16 [tilespmem:s24], [sflag:$0x9], $0x50, s0, s21, $0xb8;
	[tilespmem:$0x16C00] =	vst v63  }
0xa1: {  	_ =	swait.ge [sflag:s16], $0x2800  }
0xa2: {  	[sflag:s16] =	ssyncset.done $0x0  }
0xa3: {  	[sflag:s16] =	ssyncadd.s32 $0xFFFFD800  }
0xa4: {  	_ =	swait.ge [sflag:s1], $0x2800  }
0xa5: {  	[sflag:s1] =	ssyncset.done $0x0  }
0xa6: {  	[sflag:s1] =	ssyncadd.s32 $0xFFFFD800  }
0xa7: {  	_ =	swait.ge [sflag:s28], $0x100  }
0xa8: {  	[sflag:s28] =	ssyncset.done $0x0  }
0xa9: {  	s7 =	simm.s32 @!p0 $0x0;
	s11 =	rddreg [dreg:$0x9];
	[sflag:s28] =	ssyncadd.s32 $0xFFFFFF00  }
0xaa: {  	[tilespmem:s7], [sflag:$0x5] =	stream.linear.gather @!p0 [hbm4b:s11+s7], $0x100, $0x38;
	[tilespmem:$0x16C00] =	vst v63  }
0xab: {  	s11 =	simm.s32 @!p0 $0x5  }
0xac: {  	_ =	swait.ge @!p0 [sflag:s11], $0x100  }
0xad: {  	[sflag:s11] =	ssyncset.done @!p0 $0x0  }
0xae: {  	s12 =	simm.s32 @!p0 $0x400;
	[sflag:s11] =	ssyncadd.s32 @!p0 $0xFFFFFF00;
	s11 =	simm.s32 @!p0 $0x80  }
0xaf: {  	[tilespmem:s12], [sflag:$0x1] =	stream.indirect.gather @!p0 [hbm4b:s4+s11], $0x50, s7, s11, $0xb8;
	[tilespmem:$0x16C00] =	vst v63  }
0xb0: {  	s7 =	simm.s32 @!p0 $0x1  }
0xb1: {  	_ =	swait.ge @!p0 [sflag:s7], $0x2800  }
0xb2: {  	[sflag:s7] =	ssyncset.done @!p0 $0x0  }
0xb3: {  	[sflag:s7] =	ssyncadd.s32 @!p0 $0xFFFFD800;
	s7 =	simm.s32 @!p0 $0x9  }
0xb4: {  	[spmem:s2] =	stream.indirect.scatter.add.bf16 @!p0 [tilespmem:s12], [sflag:$0x9], $0x50, s11, s11, $0xb8;
	[tilespmem:$0x16C00] =	vst v63  }
0xb5: {  	_ =	swait.ge @!p0 [sflag:s7], $0x2800  }
0xb6: {  	[sflag:s7] =	ssyncset.done @!p0 $0x0  }
0xb7: {  	s10 =	sadd.s32 $0x1, s10;
	[sflag:s7] =	ssyncadd.s32 @!p0 $0xFFFFD800  }
0xb8: {  	p1 =	sne.s32 s10, s13;
	[bflag:$0x0] =	sbarrier.arrive $0xFFFF  }
.Ltmp1:
0xb9: {  	s12 =	rddreg [dreg:$0xa];
	(pc) =	sbr.rel @p1 .LBB2_1-.Ltmp1, $4  }
0xba: {  	[hbm:s12], [sflag:s6] =	dma.local [spmem:s15], $0x1900  }
0xbb: {  	_ =	swait.ge [sflag:s16], $0x1900  }
0xbc: {  	[sflag:s16] =	ssyncset.done $0x0  }
0xbd: {  	[sflag:s16] =	ssyncadd.s32 $0xFFFFE700  }
0xbe: {  	_ =	sfence.sel $0x180000  }
0xbf: {  	[bflag:$0x0] =	sbarrier.arrive $0xFFFF  }
0xc0: {  	_ =	strace $0x90000047  }
0xc1: {  	s0 =	stileid.u32;
	[bflag:$0x2] =	sbarrier.arrive $0xFFFF  }
0xc2: {  	p0 =	sne.s32 s0, $0x0;
	s0 =	rddreg [dreg:$0x3]  }
0xc3: {  	s0 =	sadd.s32 @!p0 $0x100000, s0  }
0xc4: {  	[sflag:s0] =	ssyncadd.tile.s32 @!p0 $0x1;
	_ =	shalt  }
.Lfunc_end2:
_tile_overlayer_lowered:
.L_overlay_start_2:
0xc5: {  	(tag) =	ssettag $0x2  }
0xc6: {  	s0 =	rddreg [dreg:$0x0];
	s2 =	stileid.u32  }
0xc7: {  	s1 =	rddreg [dreg:$0x1];
	p0 =	sne.s32 s2, $0x0  }
0xc8: {  	s3 =	rddreg [dreg:$0x2];
	[bflag:$0x3] =	sbarrier.arrive $0xFFFF;
	s2 =	simm.s32 @!p0 $0x1C09  }
0xc9: {  	[timem:s3], [sflag:s2] =	dma.local @!p0 [hbm:s0], s1  }
0xca: {  	s0 =	simm.s32 @!p0 $0x9  }
0xcb: {  	_ =	swait.ge @!p0 [sflag:s0], s1  }
0xcc: {  	s1 =	ssub.s32 @!p0 $0x0, s1;
	[sflag:s0] =	ssyncset.done @!p0 $0x0  }
0xcd: {  	[sflag:s0] =	ssyncadd.s32 @!p0 s1  }
0xce: {  	[bflag:$0x3] =	sbarrier.arrive $0xFFFF  }
0xcf: {  	_ =	shalt  }

</sc_bundles>
